<compile_context>
chip_gen: v7x
topology: tpu7x:2x2x1
jax: 0.10.2.dev20260603
libtpu: 0.0.44.dev20260713+nightly
codegen_flags: <defaults>
</compile_context>

<pallas_src>
import numpy as np
import jax
import jax.numpy as jnp
from jax import lax
from jax.experimental import pallas as pl
from jax.experimental.pallas import tpu as pltpu
from jax.experimental.pallas import tpu_sc as plsc

N = 10000
E = 320000
C_IN = 128
C_OUT = 128
K_VOL = 27
EPS = 1e-5

_CH = 128
_NW = 32
_SEG = 2
_REAL_PT = E // _NW
_SEG_E = 5120
_CPS = _SEG_E // _CH
_PAD_PT = _SEG * _SEG_E - _REAL_PT
_ACC_ROWS = 10240
_ROWS_PER_TILE = _ACC_ROWS // 16

_PAD_IDX = (np.arange(_NW * _PAD_PT, dtype=np.int32) % (K_VOL * N)).reshape(
    _NW, _PAD_PT)
_PAD_DST = np.tile(N + np.arange(_PAD_PT, dtype=np.int32), (_NW, 1))


def _xw_body(x_ref, w_ref, e_ref, off_ref, o_ref, idx_ref, dst_ref):
    xb = x_ref[...].astype(jnp.bfloat16)
    for k in range(K_VOL):
        o_ref[k] = jnp.dot(xb, w_ref[k].astype(jnp.bfloat16),
                           preferred_element_type=jnp.float32)
    idx_ref[...] = off_ref[...] * N + e_ref[0]
    dst_ref[...] = e_ref[1]


def _bn_body(p_ref, g_ref, b_ref, o_ref):
    s = p_ref[0, :N] + p_ref[1, :N]
    mean = jnp.mean(s, axis=0, keepdims=True)
    d = s - mean
    var = jnp.mean(d * d, axis=0, keepdims=True)
    o_ref[...] = d / jnp.sqrt(var + EPS) * g_ref[...] + b_ref[...]


def _sc_body(xw_hbm, idx4_hbm, dst4_hbm, out_hbm,
             idx2_v, dst2_v, rows0_v, rows1_v, acc_sh, sem0, sem1):
    cid = lax.axis_index("c")
    sid = lax.axis_index("s")
    wid = sid * 2 + cid

    def zrow(r, c):
        for j in range(C_OUT // 16):
            rows0_v[r, pl.ds(j * 16, 16)] = jnp.zeros((16,), jnp.float32)
        return c
    lax.fori_loop(0, _CH, zrow, 0)
    r0 = sid * _ROWS_PER_TILE
    for z in range(_ROWS_PER_TILE // _CH):
        pltpu.sync_copy(rows0_v, acc_sh.at[pl.ds(r0 + z * _CH, _CH)])
    plsc.subcore_barrier()

    for seg in range(_SEG):
        pltpu.sync_copy(idx4_hbm.at[wid, seg], idx2_v)
        pltpu.sync_copy(dst4_hbm.at[wid, seg], dst2_v)
        pltpu.async_copy(xw_hbm.at[idx2_v.at[0]], rows0_v, sem0)

        def pipe(h, c):
            g = h * 2
            pltpu.async_copy(xw_hbm.at[idx2_v.at[g + 1]], rows1_v, sem1)
            pltpu.make_async_copy(xw_hbm.at[idx2_v.at[g]], rows0_v, sem0).wait()
            pltpu.sync_copy(rows0_v, acc_sh.at[dst2_v.at[g]], add=True)

            @pl.when(g + 2 < _CPS)
            def _():
                pltpu.async_copy(xw_hbm.at[idx2_v.at[g + 2]], rows0_v, sem0)

            pltpu.make_async_copy(xw_hbm.at[idx2_v.at[g + 1]], rows1_v, sem1).wait()
            pltpu.sync_copy(rows1_v, acc_sh.at[dst2_v.at[g + 1]], add=True)
            return c
        lax.fori_loop(0, _CPS // 2, pipe, 0)

    plsc.subcore_barrier()
    pltpu.sync_copy(acc_sh.at[pl.ds(r0, _ROWS_PER_TILE)],
                    out_hbm.at[cid, pl.ds(r0, _ROWS_PER_TILE)])


def kernel(x, W, gamma, beta, edge_index, kernel_offsets):
    block_n = 1000
    xw, idx_flat, dst_flat = pl.pallas_call(
        _xw_body,
        grid=(N // block_n,),
        in_specs=[pl.BlockSpec((block_n, C_IN), lambda nb: (nb, 0)),
                  pl.BlockSpec((K_VOL, C_IN, C_OUT), lambda nb: (0, 0, 0)),
                  pl.BlockSpec((2, E), lambda nb: (0, 0)),
                  pl.BlockSpec((E,), lambda nb: (0,))],
        out_specs=[pl.BlockSpec((K_VOL, block_n, C_OUT), lambda nb: (0, nb, 0)),
                   pl.BlockSpec((E,), lambda nb: (0,)),
                   pl.BlockSpec((E,), lambda nb: (0,))],
        out_shape=[jax.ShapeDtypeStruct((K_VOL, N, C_OUT), jnp.float32),
                   jax.ShapeDtypeStruct((E,), jnp.int32),
                   jax.ShapeDtypeStruct((E,), jnp.int32)],
    )(x, W, edge_index, kernel_offsets)
    xw_flat = xw.reshape(K_VOL * N, C_OUT)

    idx4 = jnp.concatenate(
        [idx_flat.reshape(_NW, _REAL_PT), jnp.asarray(_PAD_IDX)],
        axis=1).reshape(_NW, _SEG, _CPS, _CH)
    dst4 = jnp.concatenate(
        [dst_flat.reshape(_NW, _REAL_PT), jnp.asarray(_PAD_DST)],
        axis=1).reshape(_NW, _SEG, _CPS, _CH)

    mesh = plsc.VectorSubcoreMesh(core_axis_name="c", subcore_axis_name="s")
    partial = pl.kernel(
        _sc_body,
        out_type=jax.ShapeDtypeStruct((2, _ACC_ROWS, C_OUT), jnp.float32),
        mesh=mesh,
        scratch_types=[
            pltpu.VMEM((_CPS, _CH), jnp.int32),
            pltpu.VMEM((_CPS, _CH), jnp.int32),
            pltpu.VMEM((_CH, C_OUT), jnp.float32),
            pltpu.VMEM((_CH, C_OUT), jnp.float32),
            pltpu.VMEM_SHARED((_ACC_ROWS, C_OUT), jnp.float32),
            pltpu.SemaphoreType.DMA,
            pltpu.SemaphoreType.DMA,
        ],
    )(xw_flat, idx4, dst4)

    return pl.pallas_call(
        _bn_body,
        out_shape=jax.ShapeDtypeStruct((N, C_OUT), jnp.float32),
    )(partial, gamma.reshape(1, C_OUT), beta.reshape(1, C_OUT))

# --- scband reference (transcript-rebuilt; emitter-appended) ---
"""Pipeline reference for scband-mink-conv-bn-51144470561083 (READ-ONLY COPY).

The authoritative reference and input builder live on the scoring server;
editing this copy changes nothing except your own understanding.
"""

import jax, jax.numpy as jnp
import numpy as np

N = 10000      # number of active voxels (sparse tensor rows)
E = 320000     # kernel-map entries (in->out pairs across kernel offsets)
C_IN = 128
C_OUT = 128
K_VOL = 27     # 3^3 kernel volume for dimension=3, kernel_size=3
EPS = 1e-5     # MinkowskiBatchNorm default eps


def setup_inputs(seed: int = 0) -> dict:
    key = jax.random.key(seed)
    k1, k2, k3, k4 = jax.random.split(key, 4)
    x = jax.random.normal(k1, (N, C_IN), dtype=jnp.float32)
    # kernel map: edge_index[0]=source (input coord idx), edge_index[1]=destination (output coord idx)
    edge_index = jax.random.randint(k2, (2, E), 0, N, dtype=jnp.int32)
    # which of the 27 kernel offsets each kernel-map entry belongs to
    kernel_offsets = jax.random.randint(k3, (E,), 0, K_VOL, dtype=jnp.int32)
    # MinkowskiConvolution kernel: [K_VOL, C_IN, C_OUT], bias=False
    W = jax.random.normal(k4, (K_VOL, C_IN, C_OUT), dtype=jnp.float32) * (1.0 / np.sqrt(C_IN * K_VOL))
    # MinkowskiBatchNorm affine params
    gamma = jnp.ones((C_OUT,), dtype=jnp.float32)
    beta = jnp.zeros((C_OUT,), dtype=jnp.float32)
    return {"x": x, "W": W, "gamma": gamma, "beta": beta,
            "edge_index": edge_index, "kernel_offsets": kernel_offsets}


def reference(x, W, gamma, beta, edge_index, kernel_offsets):
    src = edge_index[0]
    dst = edge_index[1]
    # Transform node features with every kernel-offset weight once: [N, K_VOL, C_OUT]
    xW = jnp.einsum('nc,kcd->nkd', x, W)
    # Gather the transformed feature for each kernel-map entry (gather)
    msg = xW[src, kernel_offsets]            # [E, C_OUT]
    # Scatter-add into output voxels (stride=1 => output coords == input coords)
    out = jnp.zeros((N, C_OUT), dtype=x.dtype).at[dst].add(msg)
    # MinkowskiBatchNorm (training mode: batch statistics over all active voxels)
    mean = jnp.mean(out, axis=0)
    var = jnp.var(out, axis=0)
    normed = (out - mean) / jnp.sqrt(var + EPS)
    return normed * gamma + beta

if __name__ == "__main__":
    import jax
    _d = setup_inputs()
    print(jax.jit(kernel)(*tuple(_d.values())))

</pallas_src>

<mosaic_0001>
#map = affine_map<(d0, d1) -> (0, 0)>
#map1 = affine_map<(d0, d1) -> (0, 0, 0, 0)>
#map2 = affine_map<(d0, d1) -> (0, 0, 0)>
module attributes {stable_mosaic.version = 14 : i64} {
  func.func @_sc_body(%arg0: i32, %arg1: i32, %arg2: memref<270000x128xf32, #tpu.memory_space<hbm>>, %arg3: memref<32x2x40x128xi32, #tpu.memory_space<hbm>>, %arg4: memref<32x2x40x128xi32, #tpu.memory_space<hbm>>, %arg5: memref<2x10240x128xf32, #tpu.memory_space<hbm>>, %arg6: memref<40x128xi32, #tpu.memory_space<vmem>>, %arg7: memref<40x128xi32, #tpu.memory_space<vmem>>, %arg8: memref<128x128xf32, #tpu.memory_space<vmem>>, %arg9: memref<128x128xf32, #tpu.memory_space<vmem>>, %arg10: memref<10240x128xf32, #tpu.memory_space<vmem_shared>>, %arg11: memref<!tpu.dma_semaphore, #tpu.memory_space<semaphore_mem>>, %arg12: memref<!tpu.dma_semaphore, #tpu.memory_space<semaphore_mem>>) attributes {dimension_semantics = [#tpu.dimension_semantics<core_parallel>, #tpu.dimension_semantics<subcore_parallel>], iteration_bounds = array<i64: 2, 16>, scalar_prefetch = 0 : i64, scratch_operands = 7 : i64, tpu.core_type = #tpu.core_type<sc_vector_subcore>, window_params = [{transform_indices = #map}, {transform_indices = #map1}, {transform_indices = #map1}, {transform_indices = #map2}]} {
    %mul3A = arith.constant 2 : i32
    %mul3A_0 = arith.muli %arg1, %mul3A : i32
    %add3A = arith.addi %mul3A_0, %arg0 : i32
    %scan3A = arith.constant 0 : i32
    %scan3A_1 = arith.constant 0 : i32
    %scan3A_2 = arith.constant 128 : i32
    %scan3A_3 = arith.addi %scan3A_1, %scan3A_2 : i32
    %scan3A_4 = arith.constant 1 : i32
    scf.for %scan3A_47 = %scan3A_1 to %scan3A_3 step %scan3A_4  : i32 {
      %broadcast_in_dim3A = arith.constant 0.000000e+00 : f32
      %broadcast_in_dim3A_48 = vector.broadcast %broadcast_in_dim3A : f32 to vector<16xf32>
      %swap3A = arith.index_cast %scan3A_47 : i32 to index
      %swap3A_49 = arith.constant 0 : index
      %swap3A_50 = tpu.vector_load %arg8[%swap3A, %swap3A_49] {strides = array<i32>} : memref<128x128xf32, #tpu.memory_space<vmem>>, vector<1x16xf32>,
      %swap3A_51 = vector.shape_cast %swap3A_50 : vector<1x16xf32> to vector<16xf32>
      %swap3A_52 = vector.shape_cast %broadcast_in_dim3A_48 : vector<16xf32> to vector<1x16xf32>
      tpu.vector_store %arg8[%swap3A, %swap3A_49], %swap3A_52 {strides = array<i32>} : memref<128x128xf32, #tpu.memory_space<vmem>>, vector<1x16xf32>,
      %broadcast_in_dim3A_53 = arith.constant 0.000000e+00 : f32
      %broadcast_in_dim3A_54 = vector.broadcast %broadcast_in_dim3A_53 : f32 to vector<16xf32>
      %swap3A_55 = arith.index_cast %scan3A_47 : i32 to index
      %swap3A_56 = arith.constant 16 : index
      %swap3A_57 = tpu.vector_load %arg8[%swap3A_55, %swap3A_56] {strides = array<i32>} : memref<128x128xf32, #tpu.memory_space<vmem>>, vector<1x16xf32>,
      %swap3A_58 = vector.shape_cast %swap3A_57 : vector<1x16xf32> to vector<16xf32>
      %swap3A_59 = vector.shape_cast %broadcast_in_dim3A_54 : vector<16xf32> to vector<1x16xf32>
      tpu.vector_store %arg8[%swap3A_55, %swap3A_56], %swap3A_59 {strides = array<i32>} : memref<128x128xf32, #tpu.memory_space<vmem>>, vector<1x16xf32>,
      %broadcast_in_dim3A_60 = arith.constant 0.000000e+00 : f32
      %broadcast_in_dim3A_61 = vector.broadcast %broadcast_in_dim3A_60 : f32 to vector<16xf32>
      %swap3A_62 = arith.index_cast %scan3A_47 : i32 to index
      %swap3A_63 = arith.constant 32 : index
      %swap3A_64 = tpu.vector_load %arg8[%swap3A_62, %swap3A_63] {strides = array<i32>} : memref<128x128xf32, #tpu.memory_space<vmem>>, vector<1x16xf32>,
      %swap3A_65 = vector.shape_cast %swap3A_64 : vector<1x16xf32> to vector<16xf32>
      %swap3A_66 = vector.shape_cast %broadcast_in_dim3A_61 : vector<16xf32> to vector<1x16xf32>
      tpu.vector_store %arg8[%swap3A_62, %swap3A_63], %swap3A_66 {strides = array<i32>} : memref<128x128xf32, #tpu.memory_space<vmem>>, vector<1x16xf32>,
      %broadcast_in_dim3A_67 = arith.constant 0.000000e+00 : f32
      %broadcast_in_dim3A_68 = vector.broadcast %broadcast_in_dim3A_67 : f32 to vector<16xf32>
      %swap3A_69 = arith.index_cast %scan3A_47 : i32 to index
      %swap3A_70 = arith.constant 48 : index
      %swap3A_71 = tpu.vector_load %arg8[%swap3A_69, %swap3A_70] {strides = array<i32>} : memref<128x128xf32, #tpu.memory_space<vmem>>, vector<1x16xf32>,
      %swap3A_72 = vector.shape_cast %swap3A_71 : vector<1x16xf32> to vector<16xf32>
      %swap3A_73 = vector.shape_cast %broadcast_in_dim3A_68 : vector<16xf32> to vector<1x16xf32>
      tpu.vector_store %arg8[%swap3A_69, %swap3A_70], %swap3A_73 {strides = array<i32>} : memref<128x128xf32, #tpu.memory_space<vmem>>, vector<1x16xf32>,
      %broadcast_in_dim3A_74 = arith.constant 0.000000e+00 : f32
      %broadcast_in_dim3A_75 = vector.broadcast %broadcast_in_dim3A_74 : f32 to vector<16xf32>
      %swap3A_76 = arith.index_cast %scan3A_47 : i32 to index
      %swap3A_77 = arith.constant 64 : index
      %swap3A_78 = tpu.vector_load %arg8[%swap3A_76, %swap3A_77] {strides = array<i32>} : memref<128x128xf32, #tpu.memory_space<vmem>>, vector<1x16xf32>,
      %swap3A_79 = vector.shape_cast %swap3A_78 : vector<1x16xf32> to vector<16xf32>
      %swap3A_80 = vector.shape_cast %broadcast_in_dim3A_75 : vector<16xf32> to vector<1x16xf32>
      tpu.vector_store %arg8[%swap3A_76, %swap3A_77], %swap3A_80 {strides = array<i32>} : memref<128x128xf32, #tpu.memory_space<vmem>>, vector<1x16xf32>,
      %broadcast_in_dim3A_81 = arith.constant 0.000000e+00 : f32
      %broadcast_in_dim3A_82 = vector.broadcast %broadcast_in_dim3A_81 : f32 to vector<16xf32>
      %swap3A_83 = arith.index_cast %scan3A_47 : i32 to index
      %swap3A_84 = arith.constant 80 : index
      %swap3A_85 = tpu.vector_load %arg8[%swap3A_83, %swap3A_84] {strides = array<i32>} : memref<128x128xf32, #tpu.memory_space<vmem>>, vector<1x16xf32>,
      %swap3A_86 = vector.shape_cast %swap3A_85 : vector<1x16xf32> to vector<16xf32>
      %swap3A_87 = vector.shape_cast %broadcast_in_dim3A_82 : vector<16xf32> to vector<1x16xf32>
      tpu.vector_store %arg8[%swap3A_83, %swap3A_84], %swap3A_87 {strides = array<i32>} : memref<128x128xf32, #tpu.memory_space<vmem>>, vector<1x16xf32>,
      %broadcast_in_dim3A_88 = arith.constant 0.000000e+00 : f32
      %broadcast_in_dim3A_89 = vector.broadcast %broadcast_in_dim3A_88 : f32 to vector<16xf32>
      %swap3A_90 = arith.index_cast %scan3A_47 : i32 to index
      %swap3A_91 = arith.constant 96 : index
      %swap3A_92 = tpu.vector_load %arg8[%swap3A_90, %swap3A_91] {strides = array<i32>} : memref<128x128xf32, #tpu.memory_space<vmem>>, vector<1x16xf32>,
      %swap3A_93 = vector.shape_cast %swap3A_92 : vector<1x16xf32> to vector<16xf32>
      %swap3A_94 = vector.shape_cast %broadcast_in_dim3A_89 : vector<16xf32> to vector<1x16xf32>
      tpu.vector_store %arg8[%swap3A_90, %swap3A_91], %swap3A_94 {strides = array<i32>} : memref<128x128xf32, #tpu.memory_space<vmem>>, vector<1x16xf32>,
      %broadcast_in_dim3A_95 = arith.constant 0.000000e+00 : f32
      %broadcast_in_dim3A_96 = vector.broadcast %broadcast_in_dim3A_95 : f32 to vector<16xf32>
      %swap3A_97 = arith.index_cast %scan3A_47 : i32 to index
      %swap3A_98 = arith.constant 112 : index
      %swap3A_99 = tpu.vector_load %arg8[%swap3A_97, %swap3A_98] {strides = array<i32>} : memref<128x128xf32, #tpu.memory_space<vmem>>, vector<1x16xf32>,
      %swap3A_100 = vector.shape_cast %swap3A_99 : vector<1x16xf32> to vector<16xf32>
      %swap3A_101 = vector.shape_cast %broadcast_in_dim3A_96 : vector<16xf32> to vector<1x16xf32>
      tpu.vector_store %arg8[%swap3A_97, %swap3A_98], %swap3A_101 {strides = array<i32>} : memref<128x128xf32, #tpu.memory_space<vmem>>, vector<1x16xf32>,
    }
    %scan3A_5 = arith.constant 128 : i32
    %mul3A_6 = arith.constant 640 : i32
    %mul3A_7 = arith.muli %arg1, %mul3A_6 : i32
    %add3A_8 = arith.constant 0 : i32
    %add3A_9 = arith.addi %mul3A_7, %add3A_8 : i32
    "tpu.region"() ({
      %run_scoped3A_47 = tpu.sem_alloc : memref<!tpu.dma_semaphore, #tpu.memory_space<semaphore_mem>>
      %dma_start3A_48 = arith.constant 0 : i32
      %dma_start3A_49 = tpu.memref_slice %arg10[%add3A_9, %dma_start3A_48] : memref<10240x128xf32, #tpu.memory_space<vmem_shared>> -> memref<128x128xf32, #tpu.memory_space<vmem_shared>>
      %dma_start3A_50 = arith.constant 0 : i32
      %dma_start3A_51 = tpu.memref_slice %arg10[%add3A_9, %dma_start3A_50] : memref<10240x128xf32, #tpu.memory_space<vmem_shared>> -> memref<128x128xf32, #tpu.memory_space<vmem_shared>>
      tpu.enqueue_dma source(%arg8 : memref<128x128xf32, #tpu.memory_space<vmem>>) target(%dma_start3A_51 : memref<128x128xf32, #tpu.memory_space<vmem_shared>>) target_semaphore(%run_scoped3A_47 : memref<!tpu.dma_semaphore, #tpu.memory_space<semaphore_mem>>)
      %dma_wait3A = arith.constant 0 : i32
      %dma_wait3A_52 = tpu.memref_slice %arg10[%add3A_9, %dma_wait3A] : memref<10240x128xf32, #tpu.memory_space<vmem_shared>> -> memref<128x128xf32, #tpu.memory_space<vmem_shared>>
      %dma_wait3A_53 = arith.constant 0 : i32
      %dma_wait3A_54 = tpu.memref_slice %arg10[%add3A_9, %dma_wait3A_53] : memref<10240x128xf32, #tpu.memory_space<vmem_shared>> -> memref<128x128xf32, #tpu.memory_space<vmem_shared>>
      tpu.wait_dma2 semaphore(%run_scoped3A_47 : memref<!tpu.dma_semaphore, #tpu.memory_space<semaphore_mem>>) src(%arg8 : memref<128x128xf32, #tpu.memory_space<vmem>>) dst(%dma_wait3A_54 : memref<128x128xf32, #tpu.memory_space<vmem_shared>>)
      tpu.yield
    }) : () -> ()
    %add3A_10 = arith.constant 128 : i32
    %add3A_11 = arith.addi %mul3A_7, %add3A_10 : i32
    "tpu.region"() ({
      %run_scoped3A_47 = tpu.sem_alloc : memref<!tpu.dma_semaphore, #tpu.memory_space<semaphore_mem>>
      %dma_start3A_48 = arith.constant 0 : i32
      %dma_start3A_49 = tpu.memref_slice %arg10[%add3A_11, %dma_start3A_48] : memref<10240x128xf32, #tpu.memory_space<vmem_shared>> -> memref<128x128xf32, #tpu.memory_space<vmem_shared>>
      %dma_start3A_50 = arith.constant 0 : i32
      %dma_start3A_51 = tpu.memref_slice %arg10[%add3A_11, %dma_start3A_50] : memref<10240x128xf32, #tpu.memory_space<vmem_shared>> -> memref<128x128xf32, #tpu.memory_space<vmem_shared>>
      tpu.enqueue_dma source(%arg8 : memref<128x128xf32, #tpu.memory_space<vmem>>) target(%dma_start3A_51 : memref<128x128xf32, #tpu.memory_space<vmem_shared>>) target_semaphore(%run_scoped3A_47 : memref<!tpu.dma_semaphore, #tpu.memory_space<semaphore_mem>>)
      %dma_wait3A = arith.constant 0 : i32
      %dma_wait3A_52 = tpu.memref_slice %arg10[%add3A_11, %dma_wait3A] : memref<10240x128xf32, #tpu.memory_space<vmem_shared>> -> memref<128x128xf32, #tpu.memory_space<vmem_shared>>
      %dma_wait3A_53 = arith.constant 0 : i32
      %dma_wait3A_54 = tpu.memref_slice %arg10[%add3A_11, %dma_wait3A_53] : memref<10240x128xf32, #tpu.memory_space<vmem_shared>> -> memref<128x128xf32, #tpu.memory_space<vmem_shared>>
      tpu.wait_dma2 semaphore(%run_scoped3A_47 : memref<!tpu.dma_semaphore, #tpu.memory_space<semaphore_mem>>) src(%arg8 : memref<128x128xf32, #tpu.memory_space<vmem>>) dst(%dma_wait3A_54 : memref<128x128xf32, #tpu.memory_space<vmem_shared>>)
      tpu.yield
    }) : () -> ()
    %add3A_12 = arith.constant 256 : i32
    %add3A_13 = arith.addi %mul3A_7, %add3A_12 : i32
    "tpu.region"() ({
      %run_scoped3A_47 = tpu.sem_alloc : memref<!tpu.dma_semaphore, #tpu.memory_space<semaphore_mem>>
      %dma_start3A_48 = arith.constant 0 : i32
      %dma_start3A_49 = tpu.memref_slice %arg10[%add3A_13, %dma_start3A_48] : memref<10240x128xf32, #tpu.memory_space<vmem_shared>> -> memref<128x128xf32, #tpu.memory_space<vmem_shared>>
      %dma_start3A_50 = arith.constant 0 : i32
      %dma_start3A_51 = tpu.memref_slice %arg10[%add3A_13, %dma_start3A_50] : memref<10240x128xf32, #tpu.memory_space<vmem_shared>> -> memref<128x128xf32, #tpu.memory_space<vmem_shared>>
      tpu.enqueue_dma source(%arg8 : memref<128x128xf32, #tpu.memory_space<vmem>>) target(%dma_start3A_51 : memref<128x128xf32, #tpu.memory_space<vmem_shared>>) target_semaphore(%run_scoped3A_47 : memref<!tpu.dma_semaphore, #tpu.memory_space<semaphore_mem>>)
      %dma_wait3A = arith.constant 0 : i32
      %dma_wait3A_52 = tpu.memref_slice %arg10[%add3A_13, %dma_wait3A] : memref<10240x128xf32, #tpu.memory_space<vmem_shared>> -> memref<128x128xf32, #tpu.memory_space<vmem_shared>>
      %dma_wait3A_53 = arith.constant 0 : i32
      %dma_wait3A_54 = tpu.memref_slice %arg10[%add3A_13, %dma_wait3A_53] : memref<10240x128xf32, #tpu.memory_space<vmem_shared>> -> memref<128x128xf32, #tpu.memory_space<vmem_shared>>
      tpu.wait_dma2 semaphore(%run_scoped3A_47 : memref<!tpu.dma_semaphore, #tpu.memory_space<semaphore_mem>>) src(%arg8 : memref<128x128xf32, #tpu.memory_space<vmem>>) dst(%dma_wait3A_54 : memref<128x128xf32, #tpu.memory_space<vmem_shared>>)
      tpu.yield
    }) : () -> ()
    %add3A_14 = arith.constant 384 : i32
    %add3A_15 = arith.addi %mul3A_7, %add3A_14 : i32
    "tpu.region"() ({
      %run_scoped3A_47 = tpu.sem_alloc : memref<!tpu.dma_semaphore, #tpu.memory_space<semaphore_mem>>
      %dma_start3A_48 = arith.constant 0 : i32
      %dma_start3A_49 = tpu.memref_slice %arg10[%add3A_15, %dma_start3A_48] : memref<10240x128xf32, #tpu.memory_space<vmem_shared>> -> memref<128x128xf32, #tpu.memory_space<vmem_shared>>
      %dma_start3A_50 = arith.constant 0 : i32
      %dma_start3A_51 = tpu.memref_slice %arg10[%add3A_15, %dma_start3A_50] : memref<10240x128xf32, #tpu.memory_space<vmem_shared>> -> memref<128x128xf32, #tpu.memory_space<vmem_shared>>
      tpu.enqueue_dma source(%arg8 : memref<128x128xf32, #tpu.memory_space<vmem>>) target(%dma_start3A_51 : memref<128x128xf32, #tpu.memory_space<vmem_shared>>) target_semaphore(%run_scoped3A_47 : memref<!tpu.dma_semaphore, #tpu.memory_space<semaphore_mem>>)
      %dma_wait3A = arith.constant 0 : i32
      %dma_wait3A_52 = tpu.memref_slice %arg10[%add3A_15, %dma_wait3A] : memref<10240x128xf32, #tpu.memory_space<vmem_shared>> -> memref<128x128xf32, #tpu.memory_space<vmem_shared>>
      %dma_wait3A_53 = arith.constant 0 : i32
      %dma_wait3A_54 = tpu.memref_slice %arg10[%add3A_15, %dma_wait3A_53] : memref<10240x128xf32, #tpu.memory_space<vmem_shared>> -> memref<128x128xf32, #tpu.memory_space<vmem_shared>>
      tpu.wait_dma2 semaphore(%run_scoped3A_47 : memref<!tpu.dma_semaphore, #tpu.memory_space<semaphore_mem>>) src(%arg8 : memref<128x128xf32, #tpu.memory_space<vmem>>) dst(%dma_wait3A_54 : memref<128x128xf32, #tpu.memory_space<vmem_shared>>)
      tpu.yield
    }) : () -> ()
    %add3A_16 = arith.constant 512 : i32
    %add3A_17 = arith.addi %mul3A_7, %add3A_16 : i32
    "tpu.region"() ({
      %run_scoped3A_47 = tpu.sem_alloc : memref<!tpu.dma_semaphore, #tpu.memory_space<semaphore_mem>>
      %dma_start3A_48 = arith.constant 0 : i32
      %dma_start3A_49 = tpu.memref_slice %arg10[%add3A_17, %dma_start3A_48] : memref<10240x128xf32, #tpu.memory_space<vmem_shared>> -> memref<128x128xf32, #tpu.memory_space<vmem_shared>>
      %dma_start3A_50 = arith.constant 0 : i32
      %dma_start3A_51 = tpu.memref_slice %arg10[%add3A_17, %dma_start3A_50] : memref<10240x128xf32, #tpu.memory_space<vmem_shared>> -> memref<128x128xf32, #tpu.memory_space<vmem_shared>>
      tpu.enqueue_dma source(%arg8 : memref<128x128xf32, #tpu.memory_space<vmem>>) target(%dma_start3A_51 : memref<128x128xf32, #tpu.memory_space<vmem_shared>>) target_semaphore(%run_scoped3A_47 : memref<!tpu.dma_semaphore, #tpu.memory_space<semaphore_mem>>)
      %dma_wait3A = arith.constant 0 : i32
      %dma_wait3A_52 = tpu.memref_slice %arg10[%add3A_17, %dma_wait3A] : memref<10240x128xf32, #tpu.memory_space<vmem_shared>> -> memref<128x128xf32, #tpu.memory_space<vmem_shared>>
      %dma_wait3A_53 = arith.constant 0 : i32
      %dma_wait3A_54 = tpu.memref_slice %arg10[%add3A_17, %dma_wait3A_53] : memref<10240x128xf32, #tpu.memory_space<vmem_shared>> -> memref<128x128xf32, #tpu.memory_space<vmem_shared>>
      tpu.wait_dma2 semaphore(%run_scoped3A_47 : memref<!tpu.dma_semaphore, #tpu.memory_space<semaphore_mem>>) src(%arg8 : memref<128x128xf32, #tpu.memory_space<vmem>>) dst(%dma_wait3A_54 : memref<128x128xf32, #tpu.memory_space<vmem_shared>>)
      tpu.yield
    }) : () -> ()
    %barrier3A = arith.constant 0 : index
    tpu.barrier barrier_id(%barrier3A)
    %run_scoped3A = arith.constant 0 : i32
    "tpu.region"() ({
      %run_scoped3A_47 = tpu.sem_alloc : memref<!tpu.dma_semaphore, #tpu.memory_space<semaphore_mem>>
      %dma_start3A_48 = arith.constant 0 : i32
      %dma_start3A_49 = arith.constant 0 : i32
      %dma_start3A_50 = tpu.memref_slice %arg3[%add3A, %run_scoped3A, %dma_start3A_48, %dma_start3A_49] : memref<32x2x40x128xi32, #tpu.memory_space<hbm>> -> memref<1x1x40x128xi32, #tpu.memory_space<hbm>>
      %dma_start3A_51 = tpu.memref_squeeze %dma_start3A_50 : memref<1x1x40x128xi32, #tpu.memory_space<hbm>> -> memref<40x128xi32, #tpu.memory_space<hbm>>
      %dma_start3A_52 = arith.constant 0 : i32
      %dma_start3A_53 = arith.constant 0 : i32
      %dma_start3A_54 = tpu.memref_slice %arg3[%add3A, %run_scoped3A, %dma_start3A_52, %dma_start3A_53] : memref<32x2x40x128xi32, #tpu.memory_space<hbm>> -> memref<1x1x40x128xi32, #tpu.memory_space<hbm>>
      %dma_start3A_55 = tpu.memref_squeeze %dma_start3A_54 : memref<1x1x40x128xi32, #tpu.memory_space<hbm>> -> memref<40x128xi32, #tpu.memory_space<hbm>>
      tpu.enqueue_dma source(%dma_start3A_55 : memref<40x128xi32, #tpu.memory_space<hbm>>) target(%arg6 : memref<40x128xi32, #tpu.memory_space<vmem>>) target_semaphore(%run_scoped3A_47 : memref<!tpu.dma_semaphore, #tpu.memory_space<semaphore_mem>>)
      %dma_wait3A = arith.constant 0 : i32
      %dma_wait3A_56 = arith.constant 0 : i32
      %dma_wait3A_57 = tpu.memref_slice %arg3[%add3A, %run_scoped3A, %dma_wait3A, %dma_wait3A_56] : memref<32x2x40x128xi32, #tpu.memory_space<hbm>> -> memref<1x1x40x128xi32, #tpu.memory_space<hbm>>
      %dma_wait3A_58 = tpu.memref_squeeze %dma_wait3A_57 : memref<1x1x40x128xi32, #tpu.memory_space<hbm>> -> memref<40x128xi32, #tpu.memory_space<hbm>>
      %dma_wait3A_59 = arith.constant 0 : i32
      %dma_wait3A_60 = arith.constant 0 : i32
      %dma_wait3A_61 = tpu.memref_slice %arg3[%add3A, %run_scoped3A, %dma_wait3A_59, %dma_wait3A_60] : memref<32x2x40x128xi32, #tpu.memory_space<hbm>> -> memref<1x1x40x128xi32, #tpu.memory_space<hbm>>
      %dma_wait3A_62 = tpu.memref_squeeze %dma_wait3A_61 : memref<1x1x40x128xi32, #tpu.memory_space<hbm>> -> memref<40x128xi32, #tpu.memory_space<hbm>>
      tpu.wait_dma2 semaphore(%run_scoped3A_47 : memref<!tpu.dma_semaphore, #tpu.memory_space<semaphore_mem>>) src(%dma_wait3A_62 : memref<40x128xi32, #tpu.memory_space<hbm>>) dst(%arg6 : memref<40x128xi32, #tpu.memory_space<vmem>>)
      tpu.yield
    }) : () -> ()
    %run_scoped3A_18 = arith.constant 0 : i32
    "tpu.region"() ({
      %run_scoped3A_47 = tpu.sem_alloc : memref<!tpu.dma_semaphore, #tpu.memory_space<semaphore_mem>>
      %dma_start3A_48 = arith.constant 0 : i32
      %dma_start3A_49 = arith.constant 0 : i32
      %dma_start3A_50 = tpu.memref_slice %arg4[%add3A, %run_scoped3A_18, %dma_start3A_48, %dma_start3A_49] : memref<32x2x40x128xi32, #tpu.memory_space<hbm>> -> memref<1x1x40x128xi32, #tpu.memory_space<hbm>>
      %dma_start3A_51 = tpu.memref_squeeze %dma_start3A_50 : memref<1x1x40x128xi32, #tpu.memory_space<hbm>> -> memref<40x128xi32, #tpu.memory_space<hbm>>
      %dma_start3A_52 = arith.constant 0 : i32
      %dma_start3A_53 = arith.constant 0 : i32
      %dma_start3A_54 = tpu.memref_slice %arg4[%add3A, %run_scoped3A_18, %dma_start3A_52, %dma_start3A_53] : memref<32x2x40x128xi32, #tpu.memory_space<hbm>> -> memref<1x1x40x128xi32, #tpu.memory_space<hbm>>
      %dma_start3A_55 = tpu.memref_squeeze %dma_start3A_54 : memref<1x1x40x128xi32, #tpu.memory_space<hbm>> -> memref<40x128xi32, #tpu.memory_space<hbm>>
      tpu.enqueue_dma source(%dma_start3A_55 : memref<40x128xi32, #tpu.memory_space<hbm>>) target(%arg7 : memref<40x128xi32, #tpu.memory_space<vmem>>) target_semaphore(%run_scoped3A_47 : memref<!tpu.dma_semaphore, #tpu.memory_space<semaphore_mem>>)
      %dma_wait3A = arith.constant 0 : i32
      %dma_wait3A_56 = arith.constant 0 : i32
      %dma_wait3A_57 = tpu.memref_slice %arg4[%add3A, %run_scoped3A_18, %dma_wait3A, %dma_wait3A_56] : memref<32x2x40x128xi32, #tpu.memory_space<hbm>> -> memref<1x1x40x128xi32, #tpu.memory_space<hbm>>
      %dma_wait3A_58 = tpu.memref_squeeze %dma_wait3A_57 : memref<1x1x40x128xi32, #tpu.memory_space<hbm>> -> memref<40x128xi32, #tpu.memory_space<hbm>>
      %dma_wait3A_59 = arith.constant 0 : i32
      %dma_wait3A_60 = arith.constant 0 : i32
      %dma_wait3A_61 = tpu.memref_slice %arg4[%add3A, %run_scoped3A_18, %dma_wait3A_59, %dma_wait3A_60] : memref<32x2x40x128xi32, #tpu.memory_space<hbm>> -> memref<1x1x40x128xi32, #tpu.memory_space<hbm>>
      %dma_wait3A_62 = tpu.memref_squeeze %dma_wait3A_61 : memref<1x1x40x128xi32, #tpu.memory_space<hbm>> -> memref<40x128xi32, #tpu.memory_space<hbm>>
      tpu.wait_dma2 semaphore(%run_scoped3A_47 : memref<!tpu.dma_semaphore, #tpu.memory_space<semaphore_mem>>) src(%dma_wait3A_62 : memref<40x128xi32, #tpu.memory_space<hbm>>) dst(%arg7 : memref<40x128xi32, #tpu.memory_space<vmem>>)
      tpu.yield
    }) : () -> ()
    %dma_start3A = arith.constant 0 : i32
    %dma_start3A_19 = arith.constant 0 : i32
    %dma_start3A_20 = tpu.memref_slice %arg6[%dma_start3A, %dma_start3A_19] : memref<40x128xi32, #tpu.memory_space<vmem>> -> memref<1x128xi32, #tpu.memory_space<vmem>>
    %dma_start3A_21 = tpu.memref_squeeze %dma_start3A_20 : memref<1x128xi32, #tpu.memory_space<vmem>> -> memref<128xi32, #tpu.memory_space<vmem>>
    %dma_start3A_22 = arith.constant 0 : i32
    %dma_start3A_23 = arith.constant 0 : i32
    %dma_start3A_24 = tpu.memref_slice %arg2[%dma_start3A_22, %dma_start3A_23] : memref<270000x128xf32, #tpu.memory_space<hbm>> -> memref<270000x128xf32, #tpu.memory_space<hbm>>
    tpu.enqueue_indirect_dma source(%dma_start3A_24 : memref<270000x128xf32, #tpu.memory_space<hbm>>) target(%arg8 : memref<128x128xf32, #tpu.memory_space<vmem>>) offsets(%dma_start3A_21 : memref<128xi32, #tpu.memory_space<vmem>>) semaphore(%arg11 : memref<!tpu.dma_semaphore, #tpu.memory_space<semaphore_mem>>)
    %scan3A_25 = arith.constant 0 : i32
    %scan3A_26 = arith.constant 0 : i32
    %scan3A_27 = arith.constant 20 : i32
    %scan3A_28 = arith.addi %scan3A_26, %scan3A_27 : i32
    %scan3A_29 = arith.constant 1 : i32
    scf.for %scan3A_47 = %scan3A_26 to %scan3A_28 step %scan3A_29  : i32 {
      %mul3A_48 = arith.constant 2 : i32
      %mul3A_49 = arith.muli %scan3A_47, %mul3A_48 : i32
      %add3A_50 = arith.constant 1 : i32
      %add3A_51 = arith.addi %mul3A_49, %add3A_50 : i32
      %dma_start3A_52 = arith.constant 0 : i32
      %dma_start3A_53 = tpu.memref_slice %arg6[%add3A_51, %dma_start3A_52] : memref<40x128xi32, #tpu.memory_space<vmem>> -> memref<1x128xi32, #tpu.memory_space<vmem>>
      %dma_start3A_54 = tpu.memref_squeeze %dma_start3A_53 : memref<1x128xi32, #tpu.memory_space<vmem>> -> memref<128xi32, #tpu.memory_space<vmem>>
      %dma_start3A_55 = arith.constant 0 : i32
      %dma_start3A_56 = arith.constant 0 : i32
      %dma_start3A_57 = tpu.memref_slice %arg2[%dma_start3A_55, %dma_start3A_56] : memref<270000x128xf32, #tpu.memory_space<hbm>> -> memref<270000x128xf32, #tpu.memory_space<hbm>>
      tpu.enqueue_indirect_dma source(%dma_start3A_57 : memref<270000x128xf32, #tpu.memory_space<hbm>>) target(%arg9 : memref<128x128xf32, #tpu.memory_space<vmem>>) offsets(%dma_start3A_54 : memref<128xi32, #tpu.memory_space<vmem>>) semaphore(%arg12 : memref<!tpu.dma_semaphore, #tpu.memory_space<semaphore_mem>>)
      %dma_wait3A = arith.constant 0 : i32
      %dma_wait3A_58 = tpu.memref_slice %arg6[%mul3A_49, %dma_wait3A] : memref<40x128xi32, #tpu.memory_space<vmem>> -> memref<1x128xi32, #tpu.memory_space<vmem>>
      %dma_wait3A_59 = tpu.memref_squeeze %dma_wait3A_58 : memref<1x128xi32, #tpu.memory_space<vmem>> -> memref<128xi32, #tpu.memory_space<vmem>>
      %dma_wait3A_60 = arith.constant 0 : i32
      %dma_wait3A_61 = arith.constant 0 : i32
      %dma_wait3A_62 = tpu.memref_slice %arg2[%dma_wait3A_60, %dma_wait3A_61] : memref<270000x128xf32, #tpu.memory_space<hbm>> -> memref<270000x128xf32, #tpu.memory_space<hbm>>
      tpu.wait_indirect_dma semaphore(%arg11 : memref<!tpu.dma_semaphore, #tpu.memory_space<semaphore_mem>>) src(%dma_wait3A_62 : memref<270000x128xf32, #tpu.memory_space<hbm>>) dst(%arg8 : memref<128x128xf32, #tpu.memory_space<vmem>>)
      "tpu.region"() ({
        %run_scoped3A_77 = tpu.sem_alloc : memref<!tpu.dma_semaphore, #tpu.memory_space<semaphore_mem>>
        %dma_start3A_78 = arith.constant 0 : i32
        %dma_start3A_79 = tpu.memref_slice %arg7[%mul3A_49, %dma_start3A_78] : memref<40x128xi32, #tpu.memory_space<vmem>> -> memref<1x128xi32, #tpu.memory_space<vmem>>
        %dma_start3A_80 = tpu.memref_squeeze %dma_start3A_79 : memref<1x128xi32, #tpu.memory_space<vmem>> -> memref<128xi32, #tpu.memory_space<vmem>>
        %dma_start3A_81 = arith.constant 0 : i32
        %dma_start3A_82 = arith.constant 0 : i32
        %dma_start3A_83 = tpu.memref_slice %arg10[%dma_start3A_81, %dma_start3A_82] : memref<10240x128xf32, #tpu.memory_space<vmem_shared>> -> memref<10240x128xf32, #tpu.memory_space<vmem_shared>>
        tpu.enqueue_indirect_dma source(%arg8 : memref<128x128xf32, #tpu.memory_space<vmem>>) target(%dma_start3A_83 : memref<10240x128xf32, #tpu.memory_space<vmem_shared>>) offsets(%dma_start3A_80 : memref<128xi32, #tpu.memory_space<vmem>>) semaphore(%run_scoped3A_77 : memref<!tpu.dma_semaphore, #tpu.memory_space<semaphore_mem>>) {add = true}
        %dma_wait3A_84 = arith.constant 0 : i32
        %dma_wait3A_85 = tpu.memref_slice %arg7[%mul3A_49, %dma_wait3A_84] : memref<40x128xi32, #tpu.memory_space<vmem>> -> memref<1x128xi32, #tpu.memory_space<vmem>>
        %dma_wait3A_86 = tpu.memref_squeeze %dma_wait3A_85 : memref<1x128xi32, #tpu.memory_space<vmem>> -> memref<128xi32, #tpu.memory_space<vmem>>
        %dma_wait3A_87 = arith.constant 0 : i32
        %dma_wait3A_88 = arith.constant 0 : i32
        %dma_wait3A_89 = tpu.memref_slice %arg10[%dma_wait3A_87, %dma_wait3A_88] : memref<10240x128xf32, #tpu.memory_space<vmem_shared>> -> memref<10240x128xf32, #tpu.memory_space<vmem_shared>>
        tpu.wait_indirect_dma semaphore(%run_scoped3A_77 : memref<!tpu.dma_semaphore, #tpu.memory_space<semaphore_mem>>) src(%arg8 : memref<128x128xf32, #tpu.memory_space<vmem>>) dst(%dma_wait3A_89 : memref<10240x128xf32, #tpu.memory_space<vmem_shared>>)
        tpu.yield
      }) : () -> ()
      %add3A_63 = arith.constant 2 : i32
      %add3A_64 = arith.addi %mul3A_49, %add3A_63 : i32
      %lt3A = arith.constant 40 : i32
      %lt3A_65 = arith.cmpi slt, %add3A_64, %lt3A : i32
      %convert_element_type3A = arith.extui %lt3A_65 : i1 to i32
      %cond3A = arith.constant 0 : i32
      %cond3A_66 = arith.cmpi ne, %convert_element_type3A, %cond3A : i32
      scf.if %cond3A_66 {
        %add3A_77 = arith.constant 2 : i32
        %add3A_78 = arith.addi %mul3A_49, %add3A_77 : i32
        %dma_start3A_79 = arith.constant 0 : i32
        %dma_start3A_80 = tpu.memref_slice %arg6[%add3A_78, %dma_start3A_79] : memref<40x128xi32, #tpu.memory_space<vmem>> -> memref<1x128xi32, #tpu.memory_space<vmem>>
        %dma_start3A_81 = tpu.memref_squeeze %dma_start3A_80 : memref<1x128xi32, #tpu.memory_space<vmem>> -> memref<128xi32, #tpu.memory_space<vmem>>
        %dma_start3A_82 = arith.constant 0 : i32
        %dma_start3A_83 = arith.constant 0 : i32
        %dma_start3A_84 = tpu.memref_slice %arg2[%dma_start3A_82, %dma_start3A_83] : memref<270000x128xf32, #tpu.memory_space<hbm>> -> memref<270000x128xf32, #tpu.memory_space<hbm>>
        tpu.enqueue_indirect_dma source(%dma_start3A_84 : memref<270000x128xf32, #tpu.memory_space<hbm>>) target(%arg8 : memref<128x128xf32, #tpu.memory_space<vmem>>) offsets(%dma_start3A_81 : memref<128xi32, #tpu.memory_space<vmem>>) semaphore(%arg11 : memref<!tpu.dma_semaphore, #tpu.memory_space<semaphore_mem>>)
      } else {
      }
      %add3A_67 = arith.constant 1 : i32
      %add3A_68 = arith.addi %mul3A_49, %add3A_67 : i32
      %dma_wait3A_69 = arith.constant 0 : i32
      %dma_wait3A_70 = tpu.memref_slice %arg6[%add3A_68, %dma_wait3A_69] : memref<40x128xi32, #tpu.memory_space<vmem>> -> memref<1x128xi32, #tpu.memory_space<vmem>>
      %dma_wait3A_71 = tpu.memref_squeeze %dma_wait3A_70 : memref<1x128xi32, #tpu.memory_space<vmem>> -> memref<128xi32, #tpu.memory_space<vmem>>
      %dma_wait3A_72 = arith.constant 0 : i32
      %dma_wait3A_73 = arith.constant 0 : i32
      %dma_wait3A_74 = tpu.memref_slice %arg2[%dma_wait3A_72, %dma_wait3A_73] : memref<270000x128xf32, #tpu.memory_space<hbm>> -> memref<270000x128xf32, #tpu.memory_space<hbm>>
      tpu.wait_indirect_dma semaphore(%arg12 : memref<!tpu.dma_semaphore, #tpu.memory_space<semaphore_mem>>) src(%dma_wait3A_74 : memref<270000x128xf32, #tpu.memory_space<hbm>>) dst(%arg9 : memref<128x128xf32, #tpu.memory_space<vmem>>)
      %add3A_75 = arith.constant 1 : i32
      %add3A_76 = arith.addi %mul3A_49, %add3A_75 : i32
      "tpu.region"() ({
        %run_scoped3A_77 = tpu.sem_alloc : memref<!tpu.dma_semaphore, #tpu.memory_space<semaphore_mem>>
        %dma_start3A_78 = arith.constant 0 : i32
        %dma_start3A_79 = tpu.memref_slice %arg7[%add3A_76, %dma_start3A_78] : memref<40x128xi32, #tpu.memory_space<vmem>> -> memref<1x128xi32, #tpu.memory_space<vmem>>
        %dma_start3A_80 = tpu.memref_squeeze %dma_start3A_79 : memref<1x128xi32, #tpu.memory_space<vmem>> -> memref<128xi32, #tpu.memory_space<vmem>>
        %dma_start3A_81 = arith.constant 0 : i32
        %dma_start3A_82 = arith.constant 0 : i32
        %dma_start3A_83 = tpu.memref_slice %arg10[%dma_start3A_81, %dma_start3A_82] : memref<10240x128xf32, #tpu.memory_space<vmem_shared>> -> memref<10240x128xf32, #tpu.memory_space<vmem_shared>>
        tpu.enqueue_indirect_dma source(%arg9 : memref<128x128xf32, #tpu.memory_space<vmem>>) target(%dma_start3A_83 : memref<10240x128xf32, #tpu.memory_space<vmem_shared>>) offsets(%dma_start3A_80 : memref<128xi32, #tpu.memory_space<vmem>>) semaphore(%run_scoped3A_77 : memref<!tpu.dma_semaphore, #tpu.memory_space<semaphore_mem>>) {add = true}
        %dma_wait3A_84 = arith.constant 0 : i32
        %dma_wait3A_85 = tpu.memref_slice %arg7[%add3A_76, %dma_wait3A_84] : memref<40x128xi32, #tpu.memory_space<vmem>> -> memref<1x128xi32, #tpu.memory_space<vmem>>
        %dma_wait3A_86 = tpu.memref_squeeze %dma_wait3A_85 : memref<1x128xi32, #tpu.memory_space<vmem>> -> memref<128xi32, #tpu.memory_space<vmem>>
        %dma_wait3A_87 = arith.constant 0 : i32
        %dma_wait3A_88 = arith.constant 0 : i32
        %dma_wait3A_89 = tpu.memref_slice %arg10[%dma_wait3A_87, %dma_wait3A_88] : memref<10240x128xf32, #tpu.memory_space<vmem_shared>> -> memref<10240x128xf32, #tpu.memory_space<vmem_shared>>
        tpu.wait_indirect_dma semaphore(%run_scoped3A_77 : memref<!tpu.dma_semaphore, #tpu.memory_space<semaphore_mem>>) src(%arg9 : memref<128x128xf32, #tpu.memory_space<vmem>>) dst(%dma_wait3A_89 : memref<10240x128xf32, #tpu.memory_space<vmem_shared>>)
        tpu.yield
      }) : () -> ()
    }
    %scan3A_30 = arith.constant 20 : i32
    %run_scoped3A_31 = arith.constant 1 : i32
    "tpu.region"() ({
      %run_scoped3A_47 = tpu.sem_alloc : memref<!tpu.dma_semaphore, #tpu.memory_space<semaphore_mem>>
      %dma_start3A_48 = arith.constant 0 : i32
      %dma_start3A_49 = arith.constant 0 : i32
      %dma_start3A_50 = tpu.memref_slice %arg3[%add3A, %run_scoped3A_31, %dma_start3A_48, %dma_start3A_49] : memref<32x2x40x128xi32, #tpu.memory_space<hbm>> -> memref<1x1x40x128xi32, #tpu.memory_space<hbm>>
      %dma_start3A_51 = tpu.memref_squeeze %dma_start3A_50 : memref<1x1x40x128xi32, #tpu.memory_space<hbm>> -> memref<40x128xi32, #tpu.memory_space<hbm>>
      %dma_start3A_52 = arith.constant 0 : i32
      %dma_start3A_53 = arith.constant 0 : i32
      %dma_start3A_54 = tpu.memref_slice %arg3[%add3A, %run_scoped3A_31, %dma_start3A_52, %dma_start3A_53] : memref<32x2x40x128xi32, #tpu.memory_space<hbm>> -> memref<1x1x40x128xi32, #tpu.memory_space<hbm>>
      %dma_start3A_55 = tpu.memref_squeeze %dma_start3A_54 : memref<1x1x40x128xi32, #tpu.memory_space<hbm>> -> memref<40x128xi32, #tpu.memory_space<hbm>>
      tpu.enqueue_dma source(%dma_start3A_55 : memref<40x128xi32, #tpu.memory_space<hbm>>) target(%arg6 : memref<40x128xi32, #tpu.memory_space<vmem>>) target_semaphore(%run_scoped3A_47 : memref<!tpu.dma_semaphore, #tpu.memory_space<semaphore_mem>>)
      %dma_wait3A = arith.constant 0 : i32
      %dma_wait3A_56 = arith.constant 0 : i32
      %dma_wait3A_57 = tpu.memref_slice %arg3[%add3A, %run_scoped3A_31, %dma_wait3A, %dma_wait3A_56] : memref<32x2x40x128xi32, #tpu.memory_space<hbm>> -> memref<1x1x40x128xi32, #tpu.memory_space<hbm>>
      %dma_wait3A_58 = tpu.memref_squeeze %dma_wait3A_57 : memref<1x1x40x128xi32, #tpu.memory_space<hbm>> -> memref<40x128xi32, #tpu.memory_space<hbm>>
      %dma_wait3A_59 = arith.constant 0 : i32
      %dma_wait3A_60 = arith.constant 0 : i32
      %dma_wait3A_61 = tpu.memref_slice %arg3[%add3A, %run_scoped3A_31, %dma_wait3A_59, %dma_wait3A_60] : memref<32x2x40x128xi32, #tpu.memory_space<hbm>> -> memref<1x1x40x128xi32, #tpu.memory_space<hbm>>
      %dma_wait3A_62 = tpu.memref_squeeze %dma_wait3A_61 : memref<1x1x40x128xi32, #tpu.memory_space<hbm>> -> memref<40x128xi32, #tpu.memory_space<hbm>>
      tpu.wait_dma2 semaphore(%run_scoped3A_47 : memref<!tpu.dma_semaphore, #tpu.memory_space<semaphore_mem>>) src(%dma_wait3A_62 : memref<40x128xi32, #tpu.memory_space<hbm>>) dst(%arg6 : memref<40x128xi32, #tpu.memory_space<vmem>>)
      tpu.yield
    }) : () -> ()
    %run_scoped3A_32 = arith.constant 1 : i32
    "tpu.region"() ({
      %run_scoped3A_47 = tpu.sem_alloc : memref<!tpu.dma_semaphore, #tpu.memory_space<semaphore_mem>>
      %dma_start3A_48 = arith.constant 0 : i32
      %dma_start3A_49 = arith.constant 0 : i32
      %dma_start3A_50 = tpu.memref_slice %arg4[%add3A, %run_scoped3A_32, %dma_start3A_48, %dma_start3A_49] : memref<32x2x40x128xi32, #tpu.memory_space<hbm>> -> memref<1x1x40x128xi32, #tpu.memory_space<hbm>>
      %dma_start3A_51 = tpu.memref_squeeze %dma_start3A_50 : memref<1x1x40x128xi32, #tpu.memory_space<hbm>> -> memref<40x128xi32, #tpu.memory_space<hbm>>
      %dma_start3A_52 = arith.constant 0 : i32
      %dma_start3A_53 = arith.constant 0 : i32
      %dma_start3A_54 = tpu.memref_slice %arg4[%add3A, %run_scoped3A_32, %dma_start3A_52, %dma_start3A_53] : memref<32x2x40x128xi32, #tpu.memory_space<hbm>> -> memref<1x1x40x128xi32, #tpu.memory_space<hbm>>
      %dma_start3A_55 = tpu.memref_squeeze %dma_start3A_54 : memref<1x1x40x128xi32, #tpu.memory_space<hbm>> -> memref<40x128xi32, #tpu.memory_space<hbm>>
      tpu.enqueue_dma source(%dma_start3A_55 : memref<40x128xi32, #tpu.memory_space<hbm>>) target(%arg7 : memref<40x128xi32, #tpu.memory_space<vmem>>) target_semaphore(%run_scoped3A_47 : memref<!tpu.dma_semaphore, #tpu.memory_space<semaphore_mem>>)
      %dma_wait3A = arith.constant 0 : i32
      %dma_wait3A_56 = arith.constant 0 : i32
      %dma_wait3A_57 = tpu.memref_slice %arg4[%add3A, %run_scoped3A_32, %dma_wait3A, %dma_wait3A_56] : memref<32x2x40x128xi32, #tpu.memory_space<hbm>> -> memref<1x1x40x128xi32, #tpu.memory_space<hbm>>
      %dma_wait3A_58 = tpu.memref_squeeze %dma_wait3A_57 : memref<1x1x40x128xi32, #tpu.memory_space<hbm>> -> memref<40x128xi32, #tpu.memory_space<hbm>>
      %dma_wait3A_59 = arith.constant 0 : i32
      %dma_wait3A_60 = arith.constant 0 : i32
      %dma_wait3A_61 = tpu.memref_slice %arg4[%add3A, %run_scoped3A_32, %dma_wait3A_59, %dma_wait3A_60] : memref<32x2x40x128xi32, #tpu.memory_space<hbm>> -> memref<1x1x40x128xi32, #tpu.memory_space<hbm>>
      %dma_wait3A_62 = tpu.memref_squeeze %dma_wait3A_61 : memref<1x1x40x128xi32, #tpu.memory_space<hbm>> -> memref<40x128xi32, #tpu.memory_space<hbm>>
      tpu.wait_dma2 semaphore(%run_scoped3A_47 : memref<!tpu.dma_semaphore, #tpu.memory_space<semaphore_mem>>) src(%dma_wait3A_62 : memref<40x128xi32, #tpu.memory_space<hbm>>) dst(%arg7 : memref<40x128xi32, #tpu.memory_space<vmem>>)
      tpu.yield
    }) : () -> ()
    %dma_start3A_33 = arith.constant 0 : i32
    %dma_start3A_34 = arith.constant 0 : i32
    %dma_start3A_35 = tpu.memref_slice %arg6[%dma_start3A_33, %dma_start3A_34] : memref<40x128xi32, #tpu.memory_space<vmem>> -> memref<1x128xi32, #tpu.memory_space<vmem>>
    %dma_start3A_36 = tpu.memref_squeeze %dma_start3A_35 : memref<1x128xi32, #tpu.memory_space<vmem>> -> memref<128xi32, #tpu.memory_space<vmem>>
    %dma_start3A_37 = arith.constant 0 : i32
    %dma_start3A_38 = arith.constant 0 : i32
    %dma_start3A_39 = tpu.memref_slice %arg2[%dma_start3A_37, %dma_start3A_38] : memref<270000x128xf32, #tpu.memory_space<hbm>> -> memref<270000x128xf32, #tpu.memory_space<hbm>>
    tpu.enqueue_indirect_dma source(%dma_start3A_39 : memref<270000x128xf32, #tpu.memory_space<hbm>>) target(%arg8 : memref<128x128xf32, #tpu.memory_space<vmem>>) offsets(%dma_start3A_36 : memref<128xi32, #tpu.memory_space<vmem>>) semaphore(%arg11 : memref<!tpu.dma_semaphore, #tpu.memory_space<semaphore_mem>>)
    %scan3A_40 = arith.constant 0 : i32
    %scan3A_41 = arith.constant 0 : i32
    %scan3A_42 = arith.constant 20 : i32
    %scan3A_43 = arith.addi %scan3A_41, %scan3A_42 : i32
    %scan3A_44 = arith.constant 1 : i32
    scf.for %scan3A_47 = %scan3A_41 to %scan3A_43 step %scan3A_44  : i32 {
      %mul3A_48 = arith.constant 2 : i32
      %mul3A_49 = arith.muli %scan3A_47, %mul3A_48 : i32
      %add3A_50 = arith.constant 1 : i32
      %add3A_51 = arith.addi %mul3A_49, %add3A_50 : i32
      %dma_start3A_52 = arith.constant 0 : i32
      %dma_start3A_53 = tpu.memref_slice %arg6[%add3A_51, %dma_start3A_52] : memref<40x128xi32, #tpu.memory_space<vmem>> -> memref<1x128xi32, #tpu.memory_space<vmem>>
      %dma_start3A_54 = tpu.memref_squeeze %dma_start3A_53 : memref<1x128xi32, #tpu.memory_space<vmem>> -> memref<128xi32, #tpu.memory_space<vmem>>
      %dma_start3A_55 = arith.constant 0 : i32
      %dma_start3A_56 = arith.constant 0 : i32
      %dma_start3A_57 = tpu.memref_slice %arg2[%dma_start3A_55, %dma_start3A_56] : memref<270000x128xf32, #tpu.memory_space<hbm>> -> memref<270000x128xf32, #tpu.memory_space<hbm>>
      tpu.enqueue_indirect_dma source(%dma_start3A_57 : memref<270000x128xf32, #tpu.memory_space<hbm>>) target(%arg9 : memref<128x128xf32, #tpu.memory_space<vmem>>) offsets(%dma_start3A_54 : memref<128xi32, #tpu.memory_space<vmem>>) semaphore(%arg12 : memref<!tpu.dma_semaphore, #tpu.memory_space<semaphore_mem>>)
      %dma_wait3A = arith.constant 0 : i32
      %dma_wait3A_58 = tpu.memref_slice %arg6[%mul3A_49, %dma_wait3A] : memref<40x128xi32, #tpu.memory_space<vmem>> -> memref<1x128xi32, #tpu.memory_space<vmem>>
      %dma_wait3A_59 = tpu.memref_squeeze %dma_wait3A_58 : memref<1x128xi32, #tpu.memory_space<vmem>> -> memref<128xi32, #tpu.memory_space<vmem>>
      %dma_wait3A_60 = arith.constant 0 : i32
      %dma_wait3A_61 = arith.constant 0 : i32
      %dma_wait3A_62 = tpu.memref_slice %arg2[%dma_wait3A_60, %dma_wait3A_61] : memref<270000x128xf32, #tpu.memory_space<hbm>> -> memref<270000x128xf32, #tpu.memory_space<hbm>>
      tpu.wait_indirect_dma semaphore(%arg11 : memref<!tpu.dma_semaphore, #tpu.memory_space<semaphore_mem>>) src(%dma_wait3A_62 : memref<270000x128xf32, #tpu.memory_space<hbm>>) dst(%arg8 : memref<128x128xf32, #tpu.memory_space<vmem>>)
      "tpu.region"() ({
        %run_scoped3A_77 = tpu.sem_alloc : memref<!tpu.dma_semaphore, #tpu.memory_space<semaphore_mem>>
        %dma_start3A_78 = arith.constant 0 : i32
        %dma_start3A_79 = tpu.memref_slice %arg7[%mul3A_49, %dma_start3A_78] : memref<40x128xi32, #tpu.memory_space<vmem>> -> memref<1x128xi32, #tpu.memory_space<vmem>>
        %dma_start3A_80 = tpu.memref_squeeze %dma_start3A_79 : memref<1x128xi32, #tpu.memory_space<vmem>> -> memref<128xi32, #tpu.memory_space<vmem>>
        %dma_start3A_81 = arith.constant 0 : i32
        %dma_start3A_82 = arith.constant 0 : i32
        %dma_start3A_83 = tpu.memref_slice %arg10[%dma_start3A_81, %dma_start3A_82] : memref<10240x128xf32, #tpu.memory_space<vmem_shared>> -> memref<10240x128xf32, #tpu.memory_space<vmem_shared>>
        tpu.enqueue_indirect_dma source(%arg8 : memref<128x128xf32, #tpu.memory_space<vmem>>) target(%dma_start3A_83 : memref<10240x128xf32, #tpu.memory_space<vmem_shared>>) offsets(%dma_start3A_80 : memref<128xi32, #tpu.memory_space<vmem>>) semaphore(%run_scoped3A_77 : memref<!tpu.dma_semaphore, #tpu.memory_space<semaphore_mem>>) {add = true}
        %dma_wait3A_84 = arith.constant 0 : i32
        %dma_wait3A_85 = tpu.memref_slice %arg7[%mul3A_49, %dma_wait3A_84] : memref<40x128xi32, #tpu.memory_space<vmem>> -> memref<1x128xi32, #tpu.memory_space<vmem>>
        %dma_wait3A_86 = tpu.memref_squeeze %dma_wait3A_85 : memref<1x128xi32, #tpu.memory_space<vmem>> -> memref<128xi32, #tpu.memory_space<vmem>>
        %dma_wait3A_87 = arith.constant 0 : i32
        %dma_wait3A_88 = arith.constant 0 : i32
        %dma_wait3A_89 = tpu.memref_slice %arg10[%dma_wait3A_87, %dma_wait3A_88] : memref<10240x128xf32, #tpu.memory_space<vmem_shared>> -> memref<10240x128xf32, #tpu.memory_space<vmem_shared>>
        tpu.wait_indirect_dma semaphore(%run_scoped3A_77 : memref<!tpu.dma_semaphore, #tpu.memory_space<semaphore_mem>>) src(%arg8 : memref<128x128xf32, #tpu.memory_space<vmem>>) dst(%dma_wait3A_89 : memref<10240x128xf32, #tpu.memory_space<vmem_shared>>)
        tpu.yield
      }) : () -> ()
      %add3A_63 = arith.constant 2 : i32
      %add3A_64 = arith.addi %mul3A_49, %add3A_63 : i32
      %lt3A = arith.constant 40 : i32
      %lt3A_65 = arith.cmpi slt, %add3A_64, %lt3A : i32
      %convert_element_type3A = arith.extui %lt3A_65 : i1 to i32
      %cond3A = arith.constant 0 : i32
      %cond3A_66 = arith.cmpi ne, %convert_element_type3A, %cond3A : i32
      scf.if %cond3A_66 {
        %add3A_77 = arith.constant 2 : i32
        %add3A_78 = arith.addi %mul3A_49, %add3A_77 : i32
        %dma_start3A_79 = arith.constant 0 : i32
        %dma_start3A_80 = tpu.memref_slice %arg6[%add3A_78, %dma_start3A_79] : memref<40x128xi32, #tpu.memory_space<vmem>> -> memref<1x128xi32, #tpu.memory_space<vmem>>
        %dma_start3A_81 = tpu.memref_squeeze %dma_start3A_80 : memref<1x128xi32, #tpu.memory_space<vmem>> -> memref<128xi32, #tpu.memory_space<vmem>>
        %dma_start3A_82 = arith.constant 0 : i32
        %dma_start3A_83 = arith.constant 0 : i32
        %dma_start3A_84 = tpu.memref_slice %arg2[%dma_start3A_82, %dma_start3A_83] : memref<270000x128xf32, #tpu.memory_space<hbm>> -> memref<270000x128xf32, #tpu.memory_space<hbm>>
        tpu.enqueue_indirect_dma source(%dma_start3A_84 : memref<270000x128xf32, #tpu.memory_space<hbm>>) target(%arg8 : memref<128x128xf32, #tpu.memory_space<vmem>>) offsets(%dma_start3A_81 : memref<128xi32, #tpu.memory_space<vmem>>) semaphore(%arg11 : memref<!tpu.dma_semaphore, #tpu.memory_space<semaphore_mem>>)
      } else {
      }
      %add3A_67 = arith.constant 1 : i32
      %add3A_68 = arith.addi %mul3A_49, %add3A_67 : i32
      %dma_wait3A_69 = arith.constant 0 : i32
      %dma_wait3A_70 = tpu.memref_slice %arg6[%add3A_68, %dma_wait3A_69] : memref<40x128xi32, #tpu.memory_space<vmem>> -> memref<1x128xi32, #tpu.memory_space<vmem>>
      %dma_wait3A_71 = tpu.memref_squeeze %dma_wait3A_70 : memref<1x128xi32, #tpu.memory_space<vmem>> -> memref<128xi32, #tpu.memory_space<vmem>>
      %dma_wait3A_72 = arith.constant 0 : i32
      %dma_wait3A_73 = arith.constant 0 : i32
      %dma_wait3A_74 = tpu.memref_slice %arg2[%dma_wait3A_72, %dma_wait3A_73] : memref<270000x128xf32, #tpu.memory_space<hbm>> -> memref<270000x128xf32, #tpu.memory_space<hbm>>
      tpu.wait_indirect_dma semaphore(%arg12 : memref<!tpu.dma_semaphore, #tpu.memory_space<semaphore_mem>>) src(%dma_wait3A_74 : memref<270000x128xf32, #tpu.memory_space<hbm>>) dst(%arg9 : memref<128x128xf32, #tpu.memory_space<vmem>>)
      %add3A_75 = arith.constant 1 : i32
      %add3A_76 = arith.addi %mul3A_49, %add3A_75 : i32
      "tpu.region"() ({
        %run_scoped3A_77 = tpu.sem_alloc : memref<!tpu.dma_semaphore, #tpu.memory_space<semaphore_mem>>
        %dma_start3A_78 = arith.constant 0 : i32
        %dma_start3A_79 = tpu.memref_slice %arg7[%add3A_76, %dma_start3A_78] : memref<40x128xi32, #tpu.memory_space<vmem>> -> memref<1x128xi32, #tpu.memory_space<vmem>>
        %dma_start3A_80 = tpu.memref_squeeze %dma_start3A_79 : memref<1x128xi32, #tpu.memory_space<vmem>> -> memref<128xi32, #tpu.memory_space<vmem>>
        %dma_start3A_81 = arith.constant 0 : i32
        %dma_start3A_82 = arith.constant 0 : i32
        %dma_start3A_83 = tpu.memref_slice %arg10[%dma_start3A_81, %dma_start3A_82] : memref<10240x128xf32, #tpu.memory_space<vmem_shared>> -> memref<10240x128xf32, #tpu.memory_space<vmem_shared>>
        tpu.enqueue_indirect_dma source(%arg9 : memref<128x128xf32, #tpu.memory_space<vmem>>) target(%dma_start3A_83 : memref<10240x128xf32, #tpu.memory_space<vmem_shared>>) offsets(%dma_start3A_80 : memref<128xi32, #tpu.memory_space<vmem>>) semaphore(%run_scoped3A_77 : memref<!tpu.dma_semaphore, #tpu.memory_space<semaphore_mem>>) {add = true}
        %dma_wait3A_84 = arith.constant 0 : i32
        %dma_wait3A_85 = tpu.memref_slice %arg7[%add3A_76, %dma_wait3A_84] : memref<40x128xi32, #tpu.memory_space<vmem>> -> memref<1x128xi32, #tpu.memory_space<vmem>>
        %dma_wait3A_86 = tpu.memref_squeeze %dma_wait3A_85 : memref<1x128xi32, #tpu.memory_space<vmem>> -> memref<128xi32, #tpu.memory_space<vmem>>
        %dma_wait3A_87 = arith.constant 0 : i32
        %dma_wait3A_88 = arith.constant 0 : i32
        %dma_wait3A_89 = tpu.memref_slice %arg10[%dma_wait3A_87, %dma_wait3A_88] : memref<10240x128xf32, #tpu.memory_space<vmem_shared>> -> memref<10240x128xf32, #tpu.memory_space<vmem_shared>>
        tpu.wait_indirect_dma semaphore(%run_scoped3A_77 : memref<!tpu.dma_semaphore, #tpu.memory_space<semaphore_mem>>) src(%arg9 : memref<128x128xf32, #tpu.memory_space<vmem>>) dst(%dma_wait3A_89 : memref<10240x128xf32, #tpu.memory_space<vmem_shared>>)
        tpu.yield
      }) : () -> ()
    }
    %scan3A_45 = arith.constant 20 : i32
    %barrier3A_46 = arith.constant 0 : index
    tpu.barrier barrier_id(%barrier3A_46)
    "tpu.region"() ({
      %run_scoped3A_47 = tpu.sem_alloc : memref<!tpu.dma_semaphore, #tpu.memory_space<semaphore_mem>>
      %dma_start3A_48 = arith.constant 0 : i32
      %dma_start3A_49 = tpu.memref_slice %arg5[%arg0, %mul3A_7, %dma_start3A_48] : memref<2x10240x128xf32, #tpu.memory_space<hbm>> -> memref<1x640x128xf32, #tpu.memory_space<hbm>>
      %dma_start3A_50 = tpu.memref_squeeze %dma_start3A_49 : memref<1x640x128xf32, #tpu.memory_space<hbm>> -> memref<640x128xf32, #tpu.memory_space<hbm>>
      %dma_start3A_51 = arith.constant 0 : i32
      %dma_start3A_52 = tpu.memref_slice %arg10[%mul3A_7, %dma_start3A_51] : memref<10240x128xf32, #tpu.memory_space<vmem_shared>> -> memref<640x128xf32, #tpu.memory_space<vmem_shared>>
      tpu.enqueue_dma source(%dma_start3A_52 : memref<640x128xf32, #tpu.memory_space<vmem_shared>>) target(%dma_start3A_50 : memref<640x128xf32, #tpu.memory_space<hbm>>) target_semaphore(%run_scoped3A_47 : memref<!tpu.dma_semaphore, #tpu.memory_space<semaphore_mem>>)
      %dma_wait3A = arith.constant 0 : i32
      %dma_wait3A_53 = tpu.memref_slice %arg5[%arg0, %mul3A_7, %dma_wait3A] : memref<2x10240x128xf32, #tpu.memory_space<hbm>> -> memref<1x640x128xf32, #tpu.memory_space<hbm>>
      %dma_wait3A_54 = tpu.memref_squeeze %dma_wait3A_53 : memref<1x640x128xf32, #tpu.memory_space<hbm>> -> memref<640x128xf32, #tpu.memory_space<hbm>>
      %dma_wait3A_55 = arith.constant 0 : i32
      %dma_wait3A_56 = tpu.memref_slice %arg10[%mul3A_7, %dma_wait3A_55] : memref<10240x128xf32, #tpu.memory_space<vmem_shared>> -> memref<640x128xf32, #tpu.memory_space<vmem_shared>>
      tpu.wait_dma2 semaphore(%run_scoped3A_47 : memref<!tpu.dma_semaphore, #tpu.memory_space<semaphore_mem>>) src(%dma_wait3A_56 : memref<640x128xf32, #tpu.memory_space<vmem_shared>>) dst(%dma_wait3A_54 : memref<640x128xf32, #tpu.memory_space<hbm>>)
      tpu.yield
    }) : () -> ()
    return
  }
}

module attributes {stable_mosaic.version = 14 : i64} {
  func.func @_xw_body(%arg0: i32, %arg1: memref<1000x128xf32, #tpu.memory_space<vmem>>, %arg2: memref<27x128x128xf32, #tpu.memory_space<vmem>>, %arg3: memref<2x320000xi32, #tpu.memory_space<vmem>>, %arg4: memref<320000xi32, #tpu.memory_space<vmem>>, %arg5: memref<27x1000x128xf32, #tpu.memory_space<vmem>>, %arg6: memref<320000xi32, #tpu.memory_space<vmem>>, %arg7: memref<320000xi32, #tpu.memory_space<vmem>>) attributes {dimension_semantics = [#tpu.dimension_semantics<arbitrary>], iteration_bounds = array<i64: 10>, scalar_prefetch = 0 : i64, scratch_operands = 0 : i64, tpu.core_type = #tpu.core_type<tc>, window_params = [{transform_indices = @transform_0, window_bounds = array<i64: 1000, 128>}, {pipeline_mode = #tpu.pipeline_mode<synchronous>, transform_indices = @transform_1, window_bounds = array<i64: 27, 128, 128>}, {pipeline_mode = #tpu.pipeline_mode<synchronous>, transform_indices = @transform_2, window_bounds = array<i64: 2, 320000>}, {pipeline_mode = #tpu.pipeline_mode<synchronous>, transform_indices = @transform_3, window_bounds = array<i64: 320000>}, {transform_indices = @transform_4, window_bounds = array<i64: 27, 1000, 128>}, {pipeline_mode = #tpu.pipeline_mode<synchronous>, transform_indices = @transform_5, window_bounds = array<i64: 320000>}, {pipeline_mode = #tpu.pipeline_mode<synchronous>, transform_indices = @transform_6, window_bounds = array<i64: 320000>}]} {
    %get3A = arith.constant 0 : index
    %get3A_0 = arith.constant 0 : index
    %get3A_1 = vector.load %arg1[%get3A, %get3A_0] : memref<1000x128xf32, #tpu.memory_space<vmem>>, vector<1000x128xf32>
    %convert_element_type3A = arith.truncf %get3A_1 : vector<1000x128xf32> to vector<1000x128xbf16>
    %get3A_2 = arith.constant 0 : index
    %get3A_3 = arith.constant 0 : index
    %get3A_4 = arith.constant 0 : index
    %get3A_5 = vector.load %arg2[%get3A_2, %get3A_3, %get3A_4] : memref<27x128x128xf32, #tpu.memory_space<vmem>>, vector<1x128x128xf32>
    %get3A_6 = vector.shape_cast %get3A_5 : vector<1x128x128xf32> to vector<128x128xf32>
    %convert_element_type3A_7 = arith.truncf %get3A_6 : vector<128x128xf32> to vector<128x128xbf16>
    %dot_general3A = arith.constant dense<0.000000e+00> : vector<1000x128xf32>
    %dot_general3A_8 = tpu.matmul %convert_element_type3A, %convert_element_type3A_7, %dot_general3A {dimension_numbers = #tpu.dot_dimension_numbers<[1], [0], [0], [1], [0, 0, 1, 1], [], []>, transpose_lhs_hint = false} : vector<1000x128xbf16>, vector<128x128xbf16>, vector<1000x128xf32> -> vector<1000x128xf32>
    %swap3A = arith.constant 0 : index
    %swap3A_9 = arith.constant 0 : index
    %swap3A_10 = arith.constant 0 : index
    %swap3A_11 = vector.load %arg5[%swap3A, %swap3A_9, %swap3A_10] : memref<27x1000x128xf32, #tpu.memory_space<vmem>>, vector<1x1000x128xf32>
    %swap3A_12 = vector.shape_cast %swap3A_11 : vector<1x1000x128xf32> to vector<1000x128xf32>
    %swap3A_13 = vector.shape_cast %dot_general3A_8 : vector<1000x128xf32> to vector<1x1000x128xf32>
    tpu.vector_store %arg5[%swap3A, %swap3A_9, %swap3A_10], %swap3A_13 {strides = array<i32>} : memref<27x1000x128xf32, #tpu.memory_space<vmem>>, vector<1x1000x128xf32>,
    %get3A_14 = arith.constant 1 : index
    %get3A_15 = arith.constant 0 : index
    %get3A_16 = arith.constant 0 : index
    %get3A_17 = vector.load %arg2[%get3A_14, %get3A_15, %get3A_16] : memref<27x128x128xf32, #tpu.memory_space<vmem>>, vector<1x128x128xf32>
    %get3A_18 = vector.shape_cast %get3A_17 : vector<1x128x128xf32> to vector<128x128xf32>
    %convert_element_type3A_19 = arith.truncf %get3A_18 : vector<128x128xf32> to vector<128x128xbf16>
    %dot_general3A_20 = arith.constant dense<0.000000e+00> : vector<1000x128xf32>
    %dot_general3A_21 = tpu.matmul %convert_element_type3A, %convert_element_type3A_19, %dot_general3A_20 {dimension_numbers = #tpu.dot_dimension_numbers<[1], [0], [0], [1], [0, 0, 1, 1], [], []>, transpose_lhs_hint = false} : vector<1000x128xbf16>, vector<128x128xbf16>, vector<1000x128xf32> -> vector<1000x128xf32>
    %swap3A_22 = arith.constant 1 : index
    %swap3A_23 = arith.constant 0 : index
    %swap3A_24 = arith.constant 0 : index
    %swap3A_25 = vector.load %arg5[%swap3A_22, %swap3A_23, %swap3A_24] : memref<27x1000x128xf32, #tpu.memory_space<vmem>>, vector<1x1000x128xf32>
    %swap3A_26 = vector.shape_cast %swap3A_25 : vector<1x1000x128xf32> to vector<1000x128xf32>
    %swap3A_27 = vector.shape_cast %dot_general3A_21 : vector<1000x128xf32> to vector<1x1000x128xf32>
    tpu.vector_store %arg5[%swap3A_22, %swap3A_23, %swap3A_24], %swap3A_27 {strides = array<i32>} : memref<27x1000x128xf32, #tpu.memory_space<vmem>>, vector<1x1000x128xf32>,
    %get3A_28 = arith.constant 2 : index
    %get3A_29 = arith.constant 0 : index
    %get3A_30 = arith.constant 0 : index
    %get3A_31 = vector.load %arg2[%get3A_28, %get3A_29, %get3A_30] : memref<27x128x128xf32, #tpu.memory_space<vmem>>, vector<1x128x128xf32>
    %get3A_32 = vector.shape_cast %get3A_31 : vector<1x128x128xf32> to vector<128x128xf32>
    %convert_element_type3A_33 = arith.truncf %get3A_32 : vector<128x128xf32> to vector<128x128xbf16>
    %dot_general3A_34 = arith.constant dense<0.000000e+00> : vector<1000x128xf32>
    %dot_general3A_35 = tpu.matmul %convert_element_type3A, %convert_element_type3A_33, %dot_general3A_34 {dimension_numbers = #tpu.dot_dimension_numbers<[1], [0], [0], [1], [0, 0, 1, 1], [], []>, transpose_lhs_hint = false} : vector<1000x128xbf16>, vector<128x128xbf16>, vector<1000x128xf32> -> vector<1000x128xf32>
    %swap3A_36 = arith.constant 2 : index
    %swap3A_37 = arith.constant 0 : index
    %swap3A_38 = arith.constant 0 : index
    %swap3A_39 = vector.load %arg5[%swap3A_36, %swap3A_37, %swap3A_38] : memref<27x1000x128xf32, #tpu.memory_space<vmem>>, vector<1x1000x128xf32>
    %swap3A_40 = vector.shape_cast %swap3A_39 : vector<1x1000x128xf32> to vector<1000x128xf32>
    %swap3A_41 = vector.shape_cast %dot_general3A_35 : vector<1000x128xf32> to vector<1x1000x128xf32>
    tpu.vector_store %arg5[%swap3A_36, %swap3A_37, %swap3A_38], %swap3A_41 {strides = array<i32>} : memref<27x1000x128xf32, #tpu.memory_space<vmem>>, vector<1x1000x128xf32>,
    %get3A_42 = arith.constant 3 : index
    %get3A_43 = arith.constant 0 : index
    %get3A_44 = arith.constant 0 : index
    %get3A_45 = vector.load %arg2[%get3A_42, %get3A_43, %get3A_44] : memref<27x128x128xf32, #tpu.memory_space<vmem>>, vector<1x128x128xf32>
    %get3A_46 = vector.shape_cast %get3A_45 : vector<1x128x128xf32> to vector<128x128xf32>
    %convert_element_type3A_47 = arith.truncf %get3A_46 : vector<128x128xf32> to vector<128x128xbf16>
    %dot_general3A_48 = arith.constant dense<0.000000e+00> : vector<1000x128xf32>
    %dot_general3A_49 = tpu.matmul %convert_element_type3A, %convert_element_type3A_47, %dot_general3A_48 {dimension_numbers = #tpu.dot_dimension_numbers<[1], [0], [0], [1], [0, 0, 1, 1], [], []>, transpose_lhs_hint = false} : vector<1000x128xbf16>, vector<128x128xbf16>, vector<1000x128xf32> -> vector<1000x128xf32>
    %swap3A_50 = arith.constant 3 : index
    %swap3A_51 = arith.constant 0 : index
    %swap3A_52 = arith.constant 0 : index
    %swap3A_53 = vector.load %arg5[%swap3A_50, %swap3A_51, %swap3A_52] : memref<27x1000x128xf32, #tpu.memory_space<vmem>>, vector<1x1000x128xf32>
    %swap3A_54 = vector.shape_cast %swap3A_53 : vector<1x1000x128xf32> to vector<1000x128xf32>
    %swap3A_55 = vector.shape_cast %dot_general3A_49 : vector<1000x128xf32> to vector<1x1000x128xf32>
    tpu.vector_store %arg5[%swap3A_50, %swap3A_51, %swap3A_52], %swap3A_55 {strides = array<i32>} : memref<27x1000x128xf32, #tpu.memory_space<vmem>>, vector<1x1000x128xf32>,
    %get3A_56 = arith.constant 4 : index
    %get3A_57 = arith.constant 0 : index
    %get3A_58 = arith.constant 0 : index
    %get3A_59 = vector.load %arg2[%get3A_56, %get3A_57, %get3A_58] : memref<27x128x128xf32, #tpu.memory_space<vmem>>, vector<1x128x128xf32>
    %get3A_60 = vector.shape_cast %get3A_59 : vector<1x128x128xf32> to vector<128x128xf32>
    %convert_element_type3A_61 = arith.truncf %get3A_60 : vector<128x128xf32> to vector<128x128xbf16>
    %dot_general3A_62 = arith.constant dense<0.000000e+00> : vector<1000x128xf32>
    %dot_general3A_63 = tpu.matmul %convert_element_type3A, %convert_element_type3A_61, %dot_general3A_62 {dimension_numbers = #tpu.dot_dimension_numbers<[1], [0], [0], [1], [0, 0, 1, 1], [], []>, transpose_lhs_hint = false} : vector<1000x128xbf16>, vector<128x128xbf16>, vector<1000x128xf32> -> vector<1000x128xf32>
    %swap3A_64 = arith.constant 4 : index
    %swap3A_65 = arith.constant 0 : index
    %swap3A_66 = arith.constant 0 : index
    %swap3A_67 = vector.load %arg5[%swap3A_64, %swap3A_65, %swap3A_66] : memref<27x1000x128xf32, #tpu.memory_space<vmem>>, vector<1x1000x128xf32>
    %swap3A_68 = vector.shape_cast %swap3A_67 : vector<1x1000x128xf32> to vector<1000x128xf32>
    %swap3A_69 = vector.shape_cast %dot_general3A_63 : vector<1000x128xf32> to vector<1x1000x128xf32>
    tpu.vector_store %arg5[%swap3A_64, %swap3A_65, %swap3A_66], %swap3A_69 {strides = array<i32>} : memref<27x1000x128xf32, #tpu.memory_space<vmem>>, vector<1x1000x128xf32>,
    %get3A_70 = arith.constant 5 : index
    %get3A_71 = arith.constant 0 : index
    %get3A_72 = arith.constant 0 : index
    %get3A_73 = vector.load %arg2[%get3A_70, %get3A_71, %get3A_72] : memref<27x128x128xf32, #tpu.memory_space<vmem>>, vector<1x128x128xf32>
    %get3A_74 = vector.shape_cast %get3A_73 : vector<1x128x128xf32> to vector<128x128xf32>
    %convert_element_type3A_75 = arith.truncf %get3A_74 : vector<128x128xf32> to vector<128x128xbf16>
    %dot_general3A_76 = arith.constant dense<0.000000e+00> : vector<1000x128xf32>
    %dot_general3A_77 = tpu.matmul %convert_element_type3A, %convert_element_type3A_75, %dot_general3A_76 {dimension_numbers = #tpu.dot_dimension_numbers<[1], [0], [0], [1], [0, 0, 1, 1], [], []>, transpose_lhs_hint = false} : vector<1000x128xbf16>, vector<128x128xbf16>, vector<1000x128xf32> -> vector<1000x128xf32>
    %swap3A_78 = arith.constant 5 : index
    %swap3A_79 = arith.constant 0 : index
    %swap3A_80 = arith.constant 0 : index
    %swap3A_81 = vector.load %arg5[%swap3A_78, %swap3A_79, %swap3A_80] : memref<27x1000x128xf32, #tpu.memory_space<vmem>>, vector<1x1000x128xf32>
    %swap3A_82 = vector.shape_cast %swap3A_81 : vector<1x1000x128xf32> to vector<1000x128xf32>
    %swap3A_83 = vector.shape_cast %dot_general3A_77 : vector<1000x128xf32> to vector<1x1000x128xf32>
    tpu.vector_store %arg5[%swap3A_78, %swap3A_79, %swap3A_80], %swap3A_83 {strides = array<i32>} : memref<27x1000x128xf32, #tpu.memory_space<vmem>>, vector<1x1000x128xf32>,
    %get3A_84 = arith.constant 6 : index
    %get3A_85 = arith.constant 0 : index
    %get3A_86 = arith.constant 0 : index
    %get3A_87 = vector.load %arg2[%get3A_84, %get3A_85, %get3A_86] : memref<27x128x128xf32, #tpu.memory_space<vmem>>, vector<1x128x128xf32>
    %get3A_88 = vector.shape_cast %get3A_87 : vector<1x128x128xf32> to vector<128x128xf32>
    %convert_element_type3A_89 = arith.truncf %get3A_88 : vector<128x128xf32> to vector<128x128xbf16>
    %dot_general3A_90 = arith.constant dense<0.000000e+00> : vector<1000x128xf32>
    %dot_general3A_91 = tpu.matmul %convert_element_type3A, %convert_element_type3A_89, %dot_general3A_90 {dimension_numbers = #tpu.dot_dimension_numbers<[1], [0], [0], [1], [0, 0, 1, 1], [], []>, transpose_lhs_hint = false} : vector<1000x128xbf16>, vector<128x128xbf16>, vector<1000x128xf32> -> vector<1000x128xf32>
    %swap3A_92 = arith.constant 6 : index
    %swap3A_93 = arith.constant 0 : index
    %swap3A_94 = arith.constant 0 : index
    %swap3A_95 = vector.load %arg5[%swap3A_92, %swap3A_93, %swap3A_94] : memref<27x1000x128xf32, #tpu.memory_space<vmem>>, vector<1x1000x128xf32>
    %swap3A_96 = vector.shape_cast %swap3A_95 : vector<1x1000x128xf32> to vector<1000x128xf32>
    %swap3A_97 = vector.shape_cast %dot_general3A_91 : vector<1000x128xf32> to vector<1x1000x128xf32>
    tpu.vector_store %arg5[%swap3A_92, %swap3A_93, %swap3A_94], %swap3A_97 {strides = array<i32>} : memref<27x1000x128xf32, #tpu.memory_space<vmem>>, vector<1x1000x128xf32>,
    %get3A_98 = arith.constant 7 : index
    %get3A_99 = arith.constant 0 : index
    %get3A_100 = arith.constant 0 : index
    %get3A_101 = vector.load %arg2[%get3A_98, %get3A_99, %get3A_100] : memref<27x128x128xf32, #tpu.memory_space<vmem>>, vector<1x128x128xf32>
    %get3A_102 = vector.shape_cast %get3A_101 : vector<1x128x128xf32> to vector<128x128xf32>
    %convert_element_type3A_103 = arith.truncf %get3A_102 : vector<128x128xf32> to vector<128x128xbf16>
    %dot_general3A_104 = arith.constant dense<0.000000e+00> : vector<1000x128xf32>
    %dot_general3A_105 = tpu.matmul %convert_element_type3A, %convert_element_type3A_103, %dot_general3A_104 {dimension_numbers = #tpu.dot_dimension_numbers<[1], [0], [0], [1], [0, 0, 1, 1], [], []>, transpose_lhs_hint = false} : vector<1000x128xbf16>, vector<128x128xbf16>, vector<1000x128xf32> -> vector<1000x128xf32>
    %swap3A_106 = arith.constant 7 : index
    %swap3A_107 = arith.constant 0 : index
    %swap3A_108 = arith.constant 0 : index
    %swap3A_109 = vector.load %arg5[%swap3A_106, %swap3A_107, %swap3A_108] : memref<27x1000x128xf32, #tpu.memory_space<vmem>>, vector<1x1000x128xf32>
    %swap3A_110 = vector.shape_cast %swap3A_109 : vector<1x1000x128xf32> to vector<1000x128xf32>
    %swap3A_111 = vector.shape_cast %dot_general3A_105 : vector<1000x128xf32> to vector<1x1000x128xf32>
    tpu.vector_store %arg5[%swap3A_106, %swap3A_107, %swap3A_108], %swap3A_111 {strides = array<i32>} : memref<27x1000x128xf32, #tpu.memory_space<vmem>>, vector<1x1000x128xf32>,
    %get3A_112 = arith.constant 8 : index
    %get3A_113 = arith.constant 0 : index
    %get3A_114 = arith.constant 0 : index
    %get3A_115 = vector.load %arg2[%get3A_112, %get3A_113, %get3A_114] : memref<27x128x128xf32, #tpu.memory_space<vmem>>, vector<1x128x128xf32>
    %get3A_116 = vector.shape_cast %get3A_115 : vector<1x128x128xf32> to vector<128x128xf32>
    %convert_element_type3A_117 = arith.truncf %get3A_116 : vector<128x128xf32> to vector<128x128xbf16>
    %dot_general3A_118 = arith.constant dense<0.000000e+00> : vector<1000x128xf32>
    %dot_general3A_119 = tpu.matmul %convert_element_type3A, %convert_element_type3A_117, %dot_general3A_118 {dimension_numbers = #tpu.dot_dimension_numbers<[1], [0], [0], [1], [0, 0, 1, 1], [], []>, transpose_lhs_hint = false} : vector<1000x128xbf16>, vector<128x128xbf16>, vector<1000x128xf32> -> vector<1000x128xf32>
    %swap3A_120 = arith.constant 8 : index
    %swap3A_121 = arith.constant 0 : index
    %swap3A_122 = arith.constant 0 : index
    %swap3A_123 = vector.load %arg5[%swap3A_120, %swap3A_121, %swap3A_122] : memref<27x1000x128xf32, #tpu.memory_space<vmem>>, vector<1x1000x128xf32>
    %swap3A_124 = vector.shape_cast %swap3A_123 : vector<1x1000x128xf32> to vector<1000x128xf32>
    %swap3A_125 = vector.shape_cast %dot_general3A_119 : vector<1000x128xf32> to vector<1x1000x128xf32>
    tpu.vector_store %arg5[%swap3A_120, %swap3A_121, %swap3A_122], %swap3A_125 {strides = array<i32>} : memref<27x1000x128xf32, #tpu.memory_space<vmem>>, vector<1x1000x128xf32>,
    %get3A_126 = arith.constant 9 : index
    %get3A_127 = arith.constant 0 : index
    %get3A_128 = arith.constant 0 : index
    %get3A_129 = vector.load %arg2[%get3A_126, %get3A_127, %get3A_128] : memref<27x128x128xf32, #tpu.memory_space<vmem>>, vector<1x128x128xf32>
    %get3A_130 = vector.shape_cast %get3A_129 : vector<1x128x128xf32> to vector<128x128xf32>
    %convert_element_type3A_131 = arith.truncf %get3A_130 : vector<128x128xf32> to vector<128x128xbf16>
    %dot_general3A_132 = arith.constant dense<0.000000e+00> : vector<1000x128xf32>
    %dot_general3A_133 = tpu.matmul %convert_element_type3A, %convert_element_type3A_131, %dot_general3A_132 {dimension_numbers = #tpu.dot_dimension_numbers<[1], [0], [0], [1], [0, 0, 1, 1], [], []>, transpose_lhs_hint = false} : vector<1000x128xbf16>, vector<128x128xbf16>, vector<1000x128xf32> -> vector<1000x128xf32>
    %swap3A_134 = arith.constant 9 : index
    %swap3A_135 = arith.constant 0 : index
    %swap3A_136 = arith.constant 0 : index
    %swap3A_137 = vector.load %arg5[%swap3A_134, %swap3A_135, %swap3A_136] : memref<27x1000x128xf32, #tpu.memory_space<vmem>>, vector<1x1000x128xf32>
    %swap3A_138 = vector.shape_cast %swap3A_137 : vector<1x1000x128xf32> to vector<1000x128xf32>
    %swap3A_139 = vector.shape_cast %dot_general3A_133 : vector<1000x128xf32> to vector<1x1000x128xf32>
    tpu.vector_store %arg5[%swap3A_134, %swap3A_135, %swap3A_136], %swap3A_139 {strides = array<i32>} : memref<27x1000x128xf32, #tpu.memory_space<vmem>>, vector<1x1000x128xf32>,
    %get3A_140 = arith.constant 10 : index
    %get3A_141 = arith.constant 0 : index
    %get3A_142 = arith.constant 0 : index
    %get3A_143 = vector.load %arg2[%get3A_140, %get3A_141, %get3A_142] : memref<27x128x128xf32, #tpu.memory_space<vmem>>, vector<1x128x128xf32>
    %get3A_144 = vector.shape_cast %get3A_143 : vector<1x128x128xf32> to vector<128x128xf32>
    %convert_element_type3A_145 = arith.truncf %get3A_144 : vector<128x128xf32> to vector<128x128xbf16>
    %dot_general3A_146 = arith.constant dense<0.000000e+00> : vector<1000x128xf32>
    %dot_general3A_147 = tpu.matmul %convert_element_type3A, %convert_element_type3A_145, %dot_general3A_146 {dimension_numbers = #tpu.dot_dimension_numbers<[1], [0], [0], [1], [0, 0, 1, 1], [], []>, transpose_lhs_hint = false} : vector<1000x128xbf16>, vector<128x128xbf16>, vector<1000x128xf32> -> vector<1000x128xf32>
    %swap3A_148 = arith.constant 10 : index
    %swap3A_149 = arith.constant 0 : index
    %swap3A_150 = arith.constant 0 : index
    %swap3A_151 = vector.load %arg5[%swap3A_148, %swap3A_149, %swap3A_150] : memref<27x1000x128xf32, #tpu.memory_space<vmem>>, vector<1x1000x128xf32>
    %swap3A_152 = vector.shape_cast %swap3A_151 : vector<1x1000x128xf32> to vector<1000x128xf32>
    %swap3A_153 = vector.shape_cast %dot_general3A_147 : vector<1000x128xf32> to vector<1x1000x128xf32>
    tpu.vector_store %arg5[%swap3A_148, %swap3A_149, %swap3A_150], %swap3A_153 {strides = array<i32>} : memref<27x1000x128xf32, #tpu.memory_space<vmem>>, vector<1x1000x128xf32>,
    %get3A_154 = arith.constant 11 : index
    %get3A_155 = arith.constant 0 : index
    %get3A_156 = arith.constant 0 : index
    %get3A_157 = vector.load %arg2[%get3A_154, %get3A_155, %get3A_156] : memref<27x128x128xf32, #tpu.memory_space<vmem>>, vector<1x128x128xf32>
    %get3A_158 = vector.shape_cast %get3A_157 : vector<1x128x128xf32> to vector<128x128xf32>
    %convert_element_type3A_159 = arith.truncf %get3A_158 : vector<128x128xf32> to vector<128x128xbf16>
    %dot_general3A_160 = arith.constant dense<0.000000e+00> : vector<1000x128xf32>
    %dot_general3A_161 = tpu.matmul %convert_element_type3A, %convert_element_type3A_159, %dot_general3A_160 {dimension_numbers = #tpu.dot_dimension_numbers<[1], [0], [0], [1], [0, 0, 1, 1], [], []>, transpose_lhs_hint = false} : vector<1000x128xbf16>, vector<128x128xbf16>, vector<1000x128xf32> -> vector<1000x128xf32>
    %swap3A_162 = arith.constant 11 : index
    %swap3A_163 = arith.constant 0 : index
    %swap3A_164 = arith.constant 0 : index
    %swap3A_165 = vector.load %arg5[%swap3A_162, %swap3A_163, %swap3A_164] : memref<27x1000x128xf32, #tpu.memory_space<vmem>>, vector<1x1000x128xf32>
    %swap3A_166 = vector.shape_cast %swap3A_165 : vector<1x1000x128xf32> to vector<1000x128xf32>
    %swap3A_167 = vector.shape_cast %dot_general3A_161 : vector<1000x128xf32> to vector<1x1000x128xf32>
    tpu.vector_store %arg5[%swap3A_162, %swap3A_163, %swap3A_164], %swap3A_167 {strides = array<i32>} : memref<27x1000x128xf32, #tpu.memory_space<vmem>>, vector<1x1000x128xf32>,
    %get3A_168 = arith.constant 12 : index
    %get3A_169 = arith.constant 0 : index
    %get3A_170 = arith.constant 0 : index
    %get3A_171 = vector.load %arg2[%get3A_168, %get3A_169, %get3A_170] : memref<27x128x128xf32, #tpu.memory_space<vmem>>, vector<1x128x128xf32>
    %get3A_172 = vector.shape_cast %get3A_171 : vector<1x128x128xf32> to vector<128x128xf32>
    %convert_element_type3A_173 = arith.truncf %get3A_172 : vector<128x128xf32> to vector<128x128xbf16>
    %dot_general3A_174 = arith.constant dense<0.000000e+00> : vector<1000x128xf32>
    %dot_general3A_175 = tpu.matmul %convert_element_type3A, %convert_element_type3A_173, %dot_general3A_174 {dimension_numbers = #tpu.dot_dimension_numbers<[1], [0], [0], [1], [0, 0, 1, 1], [], []>, transpose_lhs_hint = false} : vector<1000x128xbf16>, vector<128x128xbf16>, vector<1000x128xf32> -> vector<1000x128xf32>
    %swap3A_176 = arith.constant 12 : index
    %swap3A_177 = arith.constant 0 : index
    %swap3A_178 = arith.constant 0 : index
    %swap3A_179 = vector.load %arg5[%swap3A_176, %swap3A_177, %swap3A_178] : memref<27x1000x128xf32, #tpu.memory_space<vmem>>, vector<1x1000x128xf32>
    %swap3A_180 = vector.shape_cast %swap3A_179 : vector<1x1000x128xf32> to vector<1000x128xf32>
    %swap3A_181 = vector.shape_cast %dot_general3A_175 : vector<1000x128xf32> to vector<1x1000x128xf32>
    tpu.vector_store %arg5[%swap3A_176, %swap3A_177, %swap3A_178], %swap3A_181 {strides = array<i32>} : memref<27x1000x128xf32, #tpu.memory_space<vmem>>, vector<1x1000x128xf32>,
    %get3A_182 = arith.constant 13 : index
    %get3A_183 = arith.constant 0 : index
    %get3A_184 = arith.constant 0 : index
    %get3A_185 = vector.load %arg2[%get3A_182, %get3A_183, %get3A_184] : memref<27x128x128xf32, #tpu.memory_space<vmem>>, vector<1x128x128xf32>
    %get3A_186 = vector.shape_cast %get3A_185 : vector<1x128x128xf32> to vector<128x128xf32>
    %convert_element_type3A_187 = arith.truncf %get3A_186 : vector<128x128xf32> to vector<128x128xbf16>
    %dot_general3A_188 = arith.constant dense<0.000000e+00> : vector<1000x128xf32>
    %dot_general3A_189 = tpu.matmul %convert_element_type3A, %convert_element_type3A_187, %dot_general3A_188 {dimension_numbers = #tpu.dot_dimension_numbers<[1], [0], [0], [1], [0, 0, 1, 1], [], []>, transpose_lhs_hint = false} : vector<1000x128xbf16>, vector<128x128xbf16>, vector<1000x128xf32> -> vector<1000x128xf32>
    %swap3A_190 = arith.constant 13 : index
    %swap3A_191 = arith.constant 0 : index
    %swap3A_192 = arith.constant 0 : index
    %swap3A_193 = vector.load %arg5[%swap3A_190, %swap3A_191, %swap3A_192] : memref<27x1000x128xf32, #tpu.memory_space<vmem>>, vector<1x1000x128xf32>
    %swap3A_194 = vector.shape_cast %swap3A_193 : vector<1x1000x128xf32> to vector<1000x128xf32>
    %swap3A_195 = vector.shape_cast %dot_general3A_189 : vector<1000x128xf32> to vector<1x1000x128xf32>
    tpu.vector_store %arg5[%swap3A_190, %swap3A_191, %swap3A_192], %swap3A_195 {strides = array<i32>} : memref<27x1000x128xf32, #tpu.memory_space<vmem>>, vector<1x1000x128xf32>,
    %get3A_196 = arith.constant 14 : index
    %get3A_197 = arith.constant 0 : index
    %get3A_198 = arith.constant 0 : index
    %get3A_199 = vector.load %arg2[%get3A_196, %get3A_197, %get3A_198] : memref<27x128x128xf32, #tpu.memory_space<vmem>>, vector<1x128x128xf32>
    %get3A_200 = vector.shape_cast %get3A_199 : vector<1x128x128xf32> to vector<128x128xf32>
    %convert_element_type3A_201 = arith.truncf %get3A_200 : vector<128x128xf32> to vector<128x128xbf16>
    %dot_general3A_202 = arith.constant dense<0.000000e+00> : vector<1000x128xf32>
    %dot_general3A_203 = tpu.matmul %convert_element_type3A, %convert_element_type3A_201, %dot_general3A_202 {dimension_numbers = #tpu.dot_dimension_numbers<[1], [0], [0], [1], [0, 0, 1, 1], [], []>, transpose_lhs_hint = false} : vector<1000x128xbf16>, vector<128x128xbf16>, vector<1000x128xf32> -> vector<1000x128xf32>
    %swap3A_204 = arith.constant 14 : index
    %swap3A_205 = arith.constant 0 : index
    %swap3A_206 = arith.constant 0 : index
    %swap3A_207 = vector.load %arg5[%swap3A_204, %swap3A_205, %swap3A_206] : memref<27x1000x128xf32, #tpu.memory_space<vmem>>, vector<1x1000x128xf32>
    %swap3A_208 = vector.shape_cast %swap3A_207 : vector<1x1000x128xf32> to vector<1000x128xf32>
    %swap3A_209 = vector.shape_cast %dot_general3A_203 : vector<1000x128xf32> to vector<1x1000x128xf32>
    tpu.vector_store %arg5[%swap3A_204, %swap3A_205, %swap3A_206], %swap3A_209 {strides = array<i32>} : memref<27x1000x128xf32, #tpu.memory_space<vmem>>, vector<1x1000x128xf32>,
    %get3A_210 = arith.constant 15 : index
    %get3A_211 = arith.constant 0 : index
    %get3A_212 = arith.constant 0 : index
    %get3A_213 = vector.load %arg2[%get3A_210, %get3A_211, %get3A_212] : memref<27x128x128xf32, #tpu.memory_space<vmem>>, vector<1x128x128xf32>
    %get3A_214 = vector.shape_cast %get3A_213 : vector<1x128x128xf32> to vector<128x128xf32>
    %convert_element_type3A_215 = arith.truncf %get3A_214 : vector<128x128xf32> to vector<128x128xbf16>
    %dot_general3A_216 = arith.constant dense<0.000000e+00> : vector<1000x128xf32>
    %dot_general3A_217 = tpu.matmul %convert_element_type3A, %convert_element_type3A_215, %dot_general3A_216 {dimension_numbers = #tpu.dot_dimension_numbers<[1], [0], [0], [1], [0, 0, 1, 1], [], []>, transpose_lhs_hint = false} : vector<1000x128xbf16>, vector<128x128xbf16>, vector<1000x128xf32> -> vector<1000x128xf32>
    %swap3A_218 = arith.constant 15 : index
    %swap3A_219 = arith.constant 0 : index
    %swap3A_220 = arith.constant 0 : index
    %swap3A_221 = vector.load %arg5[%swap3A_218, %swap3A_219, %swap3A_220] : memref<27x1000x128xf32, #tpu.memory_space<vmem>>, vector<1x1000x128xf32>
    %swap3A_222 = vector.shape_cast %swap3A_221 : vector<1x1000x128xf32> to vector<1000x128xf32>
    %swap3A_223 = vector.shape_cast %dot_general3A_217 : vector<1000x128xf32> to vector<1x1000x128xf32>
    tpu.vector_store %arg5[%swap3A_218, %swap3A_219, %swap3A_220], %swap3A_223 {strides = array<i32>} : memref<27x1000x128xf32, #tpu.memory_space<vmem>>, vector<1x1000x128xf32>,
    %get3A_224 = arith.constant 16 : index
    %get3A_225 = arith.constant 0 : index
    %get3A_226 = arith.constant 0 : index
    %get3A_227 = vector.load %arg2[%get3A_224, %get3A_225, %get3A_226] : memref<27x128x128xf32, #tpu.memory_space<vmem>>, vector<1x128x128xf32>
    %get3A_228 = vector.shape_cast %get3A_227 : vector<1x128x128xf32> to vector<128x128xf32>
    %convert_element_type3A_229 = arith.truncf %get3A_228 : vector<128x128xf32> to vector<128x128xbf16>
    %dot_general3A_230 = arith.constant dense<0.000000e+00> : vector<1000x128xf32>
    %dot_general3A_231 = tpu.matmul %convert_element_type3A, %convert_element_type3A_229, %dot_general3A_230 {dimension_numbers = #tpu.dot_dimension_numbers<[1], [0], [0], [1], [0, 0, 1, 1], [], []>, transpose_lhs_hint = false} : vector<1000x128xbf16>, vector<128x128xbf16>, vector<1000x128xf32> -> vector<1000x128xf32>
    %swap3A_232 = arith.constant 16 : index
    %swap3A_233 = arith.constant 0 : index
    %swap3A_234 = arith.constant 0 : index
    %swap3A_235 = vector.load %arg5[%swap3A_232, %swap3A_233, %swap3A_234] : memref<27x1000x128xf32, #tpu.memory_space<vmem>>, vector<1x1000x128xf32>
    %swap3A_236 = vector.shape_cast %swap3A_235 : vector<1x1000x128xf32> to vector<1000x128xf32>
    %swap3A_237 = vector.shape_cast %dot_general3A_231 : vector<1000x128xf32> to vector<1x1000x128xf32>
    tpu.vector_store %arg5[%swap3A_232, %swap3A_233, %swap3A_234], %swap3A_237 {strides = array<i32>} : memref<27x1000x128xf32, #tpu.memory_space<vmem>>, vector<1x1000x128xf32>,
    %get3A_238 = arith.constant 17 : index
    %get3A_239 = arith.constant 0 : index
    %get3A_240 = arith.constant 0 : index
    %get3A_241 = vector.load %arg2[%get3A_238, %get3A_239, %get3A_240] : memref<27x128x128xf32, #tpu.memory_space<vmem>>, vector<1x128x128xf32>
    %get3A_242 = vector.shape_cast %get3A_241 : vector<1x128x128xf32> to vector<128x128xf32>
    %convert_element_type3A_243 = arith.truncf %get3A_242 : vector<128x128xf32> to vector<128x128xbf16>
    %dot_general3A_244 = arith.constant dense<0.000000e+00> : vector<1000x128xf32>
    %dot_general3A_245 = tpu.matmul %convert_element_type3A, %convert_element_type3A_243, %dot_general3A_244 {dimension_numbers = #tpu.dot_dimension_numbers<[1], [0], [0], [1], [0, 0, 1, 1], [], []>, transpose_lhs_hint = false} : vector<1000x128xbf16>, vector<128x128xbf16>, vector<1000x128xf32> -> vector<1000x128xf32>
    %swap3A_246 = arith.constant 17 : index
    %swap3A_247 = arith.constant 0 : index
    %swap3A_248 = arith.constant 0 : index
    %swap3A_249 = vector.load %arg5[%swap3A_246, %swap3A_247, %swap3A_248] : memref<27x1000x128xf32, #tpu.memory_space<vmem>>, vector<1x1000x128xf32>
    %swap3A_250 = vector.shape_cast %swap3A_249 : vector<1x1000x128xf32> to vector<1000x128xf32>
    %swap3A_251 = vector.shape_cast %dot_general3A_245 : vector<1000x128xf32> to vector<1x1000x128xf32>
    tpu.vector_store %arg5[%swap3A_246, %swap3A_247, %swap3A_248], %swap3A_251 {strides = array<i32>} : memref<27x1000x128xf32, #tpu.memory_space<vmem>>, vector<1x1000x128xf32>,
    %get3A_252 = arith.constant 18 : index
    %get3A_253 = arith.constant 0 : index
    %get3A_254 = arith.constant 0 : index
    %get3A_255 = vector.load %arg2[%get3A_252, %get3A_253, %get3A_254] : memref<27x128x128xf32, #tpu.memory_space<vmem>>, vector<1x128x128xf32>
    %get3A_256 = vector.shape_cast %get3A_255 : vector<1x128x128xf32> to vector<128x128xf32>
    %convert_element_type3A_257 = arith.truncf %get3A_256 : vector<128x128xf32> to vector<128x128xbf16>
    %dot_general3A_258 = arith.constant dense<0.000000e+00> : vector<1000x128xf32>
    %dot_general3A_259 = tpu.matmul %convert_element_type3A, %convert_element_type3A_257, %dot_general3A_258 {dimension_numbers = #tpu.dot_dimension_numbers<[1], [0], [0], [1], [0, 0, 1, 1], [], []>, transpose_lhs_hint = false} : vector<1000x128xbf16>, vector<128x128xbf16>, vector<1000x128xf32> -> vector<1000x128xf32>
    %swap3A_260 = arith.constant 18 : index
    %swap3A_261 = arith.constant 0 : index
    %swap3A_262 = arith.constant 0 : index
    %swap3A_263 = vector.load %arg5[%swap3A_260, %swap3A_261, %swap3A_262] : memref<27x1000x128xf32, #tpu.memory_space<vmem>>, vector<1x1000x128xf32>
    %swap3A_264 = vector.shape_cast %swap3A_263 : vector<1x1000x128xf32> to vector<1000x128xf32>
    %swap3A_265 = vector.shape_cast %dot_general3A_259 : vector<1000x128xf32> to vector<1x1000x128xf32>
    tpu.vector_store %arg5[%swap3A_260, %swap3A_261, %swap3A_262], %swap3A_265 {strides = array<i32>} : memref<27x1000x128xf32, #tpu.memory_space<vmem>>, vector<1x1000x128xf32>,
    %get3A_266 = arith.constant 19 : index
    %get3A_267 = arith.constant 0 : index
    %get3A_268 = arith.constant 0 : index
    %get3A_269 = vector.load %arg2[%get3A_266, %get3A_267, %get3A_268] : memref<27x128x128xf32, #tpu.memory_space<vmem>>, vector<1x128x128xf32>
    %get3A_270 = vector.shape_cast %get3A_269 : vector<1x128x128xf32> to vector<128x128xf32>
    %convert_element_type3A_271 = arith.truncf %get3A_270 : vector<128x128xf32> to vector<128x128xbf16>
    %dot_general3A_272 = arith.constant dense<0.000000e+00> : vector<1000x128xf32>
    %dot_general3A_273 = tpu.matmul %convert_element_type3A, %convert_element_type3A_271, %dot_general3A_272 {dimension_numbers = #tpu.dot_dimension_numbers<[1], [0], [0], [1], [0, 0, 1, 1], [], []>, transpose_lhs_hint = false} : vector<1000x128xbf16>, vector<128x128xbf16>, vector<1000x128xf32> -> vector<1000x128xf32>
    %swap3A_274 = arith.constant 19 : index
    %swap3A_275 = arith.constant 0 : index
    %swap3A_276 = arith.constant 0 : index
    %swap3A_277 = vector.load %arg5[%swap3A_274, %swap3A_275, %swap3A_276] : memref<27x1000x128xf32, #tpu.memory_space<vmem>>, vector<1x1000x128xf32>
    %swap3A_278 = vector.shape_cast %swap3A_277 : vector<1x1000x128xf32> to vector<1000x128xf32>
    %swap3A_279 = vector.shape_cast %dot_general3A_273 : vector<1000x128xf32> to vector<1x1000x128xf32>
    tpu.vector_store %arg5[%swap3A_274, %swap3A_275, %swap3A_276], %swap3A_279 {strides = array<i32>} : memref<27x1000x128xf32, #tpu.memory_space<vmem>>, vector<1x1000x128xf32>,
    %get3A_280 = arith.constant 20 : index
    %get3A_281 = arith.constant 0 : index
    %get3A_282 = arith.constant 0 : index
    %get3A_283 = vector.load %arg2[%get3A_280, %get3A_281, %get3A_282] : memref<27x128x128xf32, #tpu.memory_space<vmem>>, vector<1x128x128xf32>
    %get3A_284 = vector.shape_cast %get3A_283 : vector<1x128x128xf32> to vector<128x128xf32>
    %convert_element_type3A_285 = arith.truncf %get3A_284 : vector<128x128xf32> to vector<128x128xbf16>
    %dot_general3A_286 = arith.constant dense<0.000000e+00> : vector<1000x128xf32>
    %dot_general3A_287 = tpu.matmul %convert_element_type3A, %convert_element_type3A_285, %dot_general3A_286 {dimension_numbers = #tpu.dot_dimension_numbers<[1], [0], [0], [1], [0, 0, 1, 1], [], []>, transpose_lhs_hint = false} : vector<1000x128xbf16>, vector<128x128xbf16>, vector<1000x128xf32> -> vector<1000x128xf32>
    %swap3A_288 = arith.constant 20 : index
    %swap3A_289 = arith.constant 0 : index
    %swap3A_290 = arith.constant 0 : index
    %swap3A_291 = vector.load %arg5[%swap3A_288, %swap3A_289, %swap3A_290] : memref<27x1000x128xf32, #tpu.memory_space<vmem>>, vector<1x1000x128xf32>
    %swap3A_292 = vector.shape_cast %swap3A_291 : vector<1x1000x128xf32> to vector<1000x128xf32>
    %swap3A_293 = vector.shape_cast %dot_general3A_287 : vector<1000x128xf32> to vector<1x1000x128xf32>
    tpu.vector_store %arg5[%swap3A_288, %swap3A_289, %swap3A_290], %swap3A_293 {strides = array<i32>} : memref<27x1000x128xf32, #tpu.memory_space<vmem>>, vector<1x1000x128xf32>,
    %get3A_294 = arith.constant 21 : index
    %get3A_295 = arith.constant 0 : index
    %get3A_296 = arith.constant 0 : index
    %get3A_297 = vector.load %arg2[%get3A_294, %get3A_295, %get3A_296] : memref<27x128x128xf32, #tpu.memory_space<vmem>>, vector<1x128x128xf32>
    %get3A_298 = vector.shape_cast %get3A_297 : vector<1x128x128xf32> to vector<128x128xf32>
    %convert_element_type3A_299 = arith.truncf %get3A_298 : vector<128x128xf32> to vector<128x128xbf16>
    %dot_general3A_300 = arith.constant dense<0.000000e+00> : vector<1000x128xf32>
    %dot_general3A_301 = tpu.matmul %convert_element_type3A, %convert_element_type3A_299, %dot_general3A_300 {dimension_numbers = #tpu.dot_dimension_numbers<[1], [0], [0], [1], [0, 0, 1, 1], [], []>, transpose_lhs_hint = false} : vector<1000x128xbf16>, vector<128x128xbf16>, vector<1000x128xf32> -> vector<1000x128xf32>
    %swap3A_302 = arith.constant 21 : index
    %swap3A_303 = arith.constant 0 : index
    %swap3A_304 = arith.constant 0 : index
    %swap3A_305 = vector.load %arg5[%swap3A_302, %swap3A_303, %swap3A_304] : memref<27x1000x128xf32, #tpu.memory_space<vmem>>, vector<1x1000x128xf32>
    %swap3A_306 = vector.shape_cast %swap3A_305 : vector<1x1000x128xf32> to vector<1000x128xf32>
    %swap3A_307 = vector.shape_cast %dot_general3A_301 : vector<1000x128xf32> to vector<1x1000x128xf32>
    tpu.vector_store %arg5[%swap3A_302, %swap3A_303, %swap3A_304], %swap3A_307 {strides = array<i32>} : memref<27x1000x128xf32, #tpu.memory_space<vmem>>, vector<1x1000x128xf32>,
    %get3A_308 = arith.constant 22 : index
    %get3A_309 = arith.constant 0 : index
    %get3A_310 = arith.constant 0 : index
    %get3A_311 = vector.load %arg2[%get3A_308, %get3A_309, %get3A_310] : memref<27x128x128xf32, #tpu.memory_space<vmem>>, vector<1x128x128xf32>
    %get3A_312 = vector.shape_cast %get3A_311 : vector<1x128x128xf32> to vector<128x128xf32>
    %convert_element_type3A_313 = arith.truncf %get3A_312 : vector<128x128xf32> to vector<128x128xbf16>
    %dot_general3A_314 = arith.constant dense<0.000000e+00> : vector<1000x128xf32>
    %dot_general3A_315 = tpu.matmul %convert_element_type3A, %convert_element_type3A_313, %dot_general3A_314 {dimension_numbers = #tpu.dot_dimension_numbers<[1], [0], [0], [1], [0, 0, 1, 1], [], []>, transpose_lhs_hint = false} : vector<1000x128xbf16>, vector<128x128xbf16>, vector<1000x128xf32> -> vector<1000x128xf32>
    %swap3A_316 = arith.constant 22 : index
    %swap3A_317 = arith.constant 0 : index
    %swap3A_318 = arith.constant 0 : index
    %swap3A_319 = vector.load %arg5[%swap3A_316, %swap3A_317, %swap3A_318] : memref<27x1000x128xf32, #tpu.memory_space<vmem>>, vector<1x1000x128xf32>
    %swap3A_320 = vector.shape_cast %swap3A_319 : vector<1x1000x128xf32> to vector<1000x128xf32>
    %swap3A_321 = vector.shape_cast %dot_general3A_315 : vector<1000x128xf32> to vector<1x1000x128xf32>
    tpu.vector_store %arg5[%swap3A_316, %swap3A_317, %swap3A_318], %swap3A_321 {strides = array<i32>} : memref<27x1000x128xf32, #tpu.memory_space<vmem>>, vector<1x1000x128xf32>,
    %get3A_322 = arith.constant 23 : index
    %get3A_323 = arith.constant 0 : index
    %get3A_324 = arith.constant 0 : index
    %get3A_325 = vector.load %arg2[%get3A_322, %get3A_323, %get3A_324] : memref<27x128x128xf32, #tpu.memory_space<vmem>>, vector<1x128x128xf32>
    %get3A_326 = vector.shape_cast %get3A_325 : vector<1x128x128xf32> to vector<128x128xf32>
    %convert_element_type3A_327 = arith.truncf %get3A_326 : vector<128x128xf32> to vector<128x128xbf16>
    %dot_general3A_328 = arith.constant dense<0.000000e+00> : vector<1000x128xf32>
    %dot_general3A_329 = tpu.matmul %convert_element_type3A, %convert_element_type3A_327, %dot_general3A_328 {dimension_numbers = #tpu.dot_dimension_numbers<[1], [0], [0], [1], [0, 0, 1, 1], [], []>, transpose_lhs_hint = false} : vector<1000x128xbf16>, vector<128x128xbf16>, vector<1000x128xf32> -> vector<1000x128xf32>
    %swap3A_330 = arith.constant 23 : index
    %swap3A_331 = arith.constant 0 : index
    %swap3A_332 = arith.constant 0 : index
    %swap3A_333 = vector.load %arg5[%swap3A_330, %swap3A_331, %swap3A_332] : memref<27x1000x128xf32, #tpu.memory_space<vmem>>, vector<1x1000x128xf32>
    %swap3A_334 = vector.shape_cast %swap3A_333 : vector<1x1000x128xf32> to vector<1000x128xf32>
    %swap3A_335 = vector.shape_cast %dot_general3A_329 : vector<1000x128xf32> to vector<1x1000x128xf32>
    tpu.vector_store %arg5[%swap3A_330, %swap3A_331, %swap3A_332], %swap3A_335 {strides = array<i32>} : memref<27x1000x128xf32, #tpu.memory_space<vmem>>, vector<1x1000x128xf32>,
    %get3A_336 = arith.constant 24 : index
    %get3A_337 = arith.constant 0 : index
    %get3A_338 = arith.constant 0 : index
    %get3A_339 = vector.load %arg2[%get3A_336, %get3A_337, %get3A_338] : memref<27x128x128xf32, #tpu.memory_space<vmem>>, vector<1x128x128xf32>
    %get3A_340 = vector.shape_cast %get3A_339 : vector<1x128x128xf32> to vector<128x128xf32>
    %convert_element_type3A_341 = arith.truncf %get3A_340 : vector<128x128xf32> to vector<128x128xbf16>
    %dot_general3A_342 = arith.constant dense<0.000000e+00> : vector<1000x128xf32>
    %dot_general3A_343 = tpu.matmul %convert_element_type3A, %convert_element_type3A_341, %dot_general3A_342 {dimension_numbers = #tpu.dot_dimension_numbers<[1], [0], [0], [1], [0, 0, 1, 1], [], []>, transpose_lhs_hint = false} : vector<1000x128xbf16>, vector<128x128xbf16>, vector<1000x128xf32> -> vector<1000x128xf32>
    %swap3A_344 = arith.constant 24 : index
    %swap3A_345 = arith.constant 0 : index
    %swap3A_346 = arith.constant 0 : index
    %swap3A_347 = vector.load %arg5[%swap3A_344, %swap3A_345, %swap3A_346] : memref<27x1000x128xf32, #tpu.memory_space<vmem>>, vector<1x1000x128xf32>
    %swap3A_348 = vector.shape_cast %swap3A_347 : vector<1x1000x128xf32> to vector<1000x128xf32>
    %swap3A_349 = vector.shape_cast %dot_general3A_343 : vector<1000x128xf32> to vector<1x1000x128xf32>
    tpu.vector_store %arg5[%swap3A_344, %swap3A_345, %swap3A_346], %swap3A_349 {strides = array<i32>} : memref<27x1000x128xf32, #tpu.memory_space<vmem>>, vector<1x1000x128xf32>,
    %get3A_350 = arith.constant 25 : index
    %get3A_351 = arith.constant 0 : index
    %get3A_352 = arith.constant 0 : index
    %get3A_353 = vector.load %arg2[%get3A_350, %get3A_351, %get3A_352] : memref<27x128x128xf32, #tpu.memory_space<vmem>>, vector<1x128x128xf32>
    %get3A_354 = vector.shape_cast %get3A_353 : vector<1x128x128xf32> to vector<128x128xf32>
    %convert_element_type3A_355 = arith.truncf %get3A_354 : vector<128x128xf32> to vector<128x128xbf16>
    %dot_general3A_356 = arith.constant dense<0.000000e+00> : vector<1000x128xf32>
    %dot_general3A_357 = tpu.matmul %convert_element_type3A, %convert_element_type3A_355, %dot_general3A_356 {dimension_numbers = #tpu.dot_dimension_numbers<[1], [0], [0], [1], [0, 0, 1, 1], [], []>, transpose_lhs_hint = false} : vector<1000x128xbf16>, vector<128x128xbf16>, vector<1000x128xf32> -> vector<1000x128xf32>
    %swap3A_358 = arith.constant 25 : index
    %swap3A_359 = arith.constant 0 : index
    %swap3A_360 = arith.constant 0 : index
    %swap3A_361 = vector.load %arg5[%swap3A_358, %swap3A_359, %swap3A_360] : memref<27x1000x128xf32, #tpu.memory_space<vmem>>, vector<1x1000x128xf32>
    %swap3A_362 = vector.shape_cast %swap3A_361 : vector<1x1000x128xf32> to vector<1000x128xf32>
    %swap3A_363 = vector.shape_cast %dot_general3A_357 : vector<1000x128xf32> to vector<1x1000x128xf32>
    tpu.vector_store %arg5[%swap3A_358, %swap3A_359, %swap3A_360], %swap3A_363 {strides = array<i32>} : memref<27x1000x128xf32, #tpu.memory_space<vmem>>, vector<1x1000x128xf32>,
    %get3A_364 = arith.constant 26 : index
    %get3A_365 = arith.constant 0 : index
    %get3A_366 = arith.constant 0 : index
    %get3A_367 = vector.load %arg2[%get3A_364, %get3A_365, %get3A_366] : memref<27x128x128xf32, #tpu.memory_space<vmem>>, vector<1x128x128xf32>
    %get3A_368 = vector.shape_cast %get3A_367 : vector<1x128x128xf32> to vector<128x128xf32>
    %convert_element_type3A_369 = arith.truncf %get3A_368 : vector<128x128xf32> to vector<128x128xbf16>
    %dot_general3A_370 = arith.constant dense<0.000000e+00> : vector<1000x128xf32>
    %dot_general3A_371 = tpu.matmul %convert_element_type3A, %convert_element_type3A_369, %dot_general3A_370 {dimension_numbers = #tpu.dot_dimension_numbers<[1], [0], [0], [1], [0, 0, 1, 1], [], []>, transpose_lhs_hint = false} : vector<1000x128xbf16>, vector<128x128xbf16>, vector<1000x128xf32> -> vector<1000x128xf32>
    %swap3A_372 = arith.constant 26 : index
    %swap3A_373 = arith.constant 0 : index
    %swap3A_374 = arith.constant 0 : index
    %swap3A_375 = vector.load %arg5[%swap3A_372, %swap3A_373, %swap3A_374] : memref<27x1000x128xf32, #tpu.memory_space<vmem>>, vector<1x1000x128xf32>
    %swap3A_376 = vector.shape_cast %swap3A_375 : vector<1x1000x128xf32> to vector<1000x128xf32>
    %swap3A_377 = vector.shape_cast %dot_general3A_371 : vector<1000x128xf32> to vector<1x1000x128xf32>
    tpu.vector_store %arg5[%swap3A_372, %swap3A_373, %swap3A_374], %swap3A_377 {strides = array<i32>} : memref<27x1000x128xf32, #tpu.memory_space<vmem>>, vector<1x1000x128xf32>,
    %get3A_378 = arith.constant 0 : index
    %get3A_379 = vector.load %arg4[%get3A_378] : memref<320000xi32, #tpu.memory_space<vmem>>, vector<320000xi32>
    %mul3A = arith.constant 10000 : i32
    %mul3A_380 = vector.broadcast %mul3A : i32 to vector<320000xi32>
    %mul3A_381 = arith.muli %get3A_379, %mul3A_380 : vector<320000xi32>
    %get3A_382 = arith.constant 0 : index
    %get3A_383 = arith.constant 0 : index
    %get3A_384 = vector.load %arg3[%get3A_382, %get3A_383] : memref<2x320000xi32, #tpu.memory_space<vmem>>, vector<1x320000xi32>
    %get3A_385 = vector.shape_cast %get3A_384 : vector<1x320000xi32> to vector<320000xi32>
    %add3A = arith.addi %mul3A_381, %get3A_385 : vector<320000xi32>
    %swap3A_386 = arith.constant 0 : index
    %swap3A_387 = vector.load %arg6[%swap3A_386] : memref<320000xi32, #tpu.memory_space<vmem>>, vector<320000xi32>
    tpu.vector_store %arg6[%swap3A_386], %add3A {strides = array<i32>} : memref<320000xi32, #tpu.memory_space<vmem>>, vector<320000xi32>,
    %get3A_388 = arith.constant 1 : index
    %get3A_389 = arith.constant 0 : index
    %get3A_390 = vector.load %arg3[%get3A_388, %get3A_389] : memref<2x320000xi32, #tpu.memory_space<vmem>>, vector<1x320000xi32>
    %get3A_391 = vector.shape_cast %get3A_390 : vector<1x320000xi32> to vector<320000xi32>
    %swap3A_392 = arith.constant 0 : index
    %swap3A_393 = vector.load %arg7[%swap3A_392] : memref<320000xi32, #tpu.memory_space<vmem>>, vector<320000xi32>
    tpu.vector_store %arg7[%swap3A_392], %get3A_391 {strides = array<i32>} : memref<320000xi32, #tpu.memory_space<vmem>>, vector<320000xi32>,
    return
  }
  func.func @transform_0(%arg0: i32) -> (i32, i32) {
    %c0_i32 = arith.constant 0 : i32
    %c0_i32_0 = arith.constant 0 : i32
    return %arg0, %c0_i32 : i32, i32
  }
  func.func @transform_1(%arg0: i32) -> (i32, i32, i32) {
    %c0_i32 = arith.constant 0 : i32
    %c0_i32_0 = arith.constant 0 : i32
    %c0_i32_1 = arith.constant 0 : i32
    %c0_i32_2 = arith.constant 0 : i32
    return %c0_i32, %c0_i32_0, %c0_i32_1 : i32, i32, i32
  }
  func.func @transform_2(%arg0: i32) -> (i32, i32) {
    %c0_i32 = arith.constant 0 : i32
    %c0_i32_0 = arith.constant 0 : i32
    %c0_i32_1 = arith.constant 0 : i32
    return %c0_i32, %c0_i32_0 : i32, i32
  }
  func.func @transform_3(%arg0: i32) -> i32 {
    %c0_i32 = arith.constant 0 : i32
    %c0_i32_0 = arith.constant 0 : i32
    return %c0_i32 : i32
  }
  func.func @transform_4(%arg0: i32) -> (i32, i32, i32) {
    %c0_i32 = arith.constant 0 : i32
    %c0_i32_0 = arith.constant 0 : i32
    %c0_i32_1 = arith.constant 0 : i32
    return %c0_i32, %arg0, %c0_i32_0 : i32, i32, i32
  }
  func.func @transform_5(%arg0: i32) -> i32 {
    %c0_i32 = arith.constant 0 : i32
    %c0_i32_0 = arith.constant 0 : i32
    return %c0_i32 : i32
  }
  func.func @transform_6(%arg0: i32) -> i32 {
    %c0_i32 = arith.constant 0 : i32
    %c0_i32_0 = arith.constant 0 : i32
    return %c0_i32 : i32
  }
}

module attributes {stable_mosaic.version = 14 : i64} {
  func.func @_bn_body(%arg0: memref<2x10240x128xf32, #tpu.memory_space<vmem>>, %arg1: memref<1x128xf32, #tpu.memory_space<vmem>>, %arg2: memref<1x128xf32, #tpu.memory_space<vmem>>, %arg3: memref<10000x128xf32, #tpu.memory_space<vmem>>) attributes {dimension_semantics = [], scalar_prefetch = 0 : i64, scratch_operands = 0 : i64, tpu.core_type = #tpu.core_type<tc>} {
    %get3A = arith.constant 0 : index
    %get3A_0 = arith.constant 0 : index
    %get3A_1 = arith.constant 0 : index
    %get3A_2 = vector.load %arg0[%get3A, %get3A_0, %get3A_1] : memref<2x10240x128xf32, #tpu.memory_space<vmem>>, vector<1x10000x128xf32>
    %get3A_3 = vector.shape_cast %get3A_2 : vector<1x10000x128xf32> to vector<10000x128xf32>
    %get3A_4 = arith.constant 1 : index
    %get3A_5 = arith.constant 0 : index
    %get3A_6 = arith.constant 0 : index
    %get3A_7 = vector.load %arg0[%get3A_4, %get3A_5, %get3A_6] : memref<2x10240x128xf32, #tpu.memory_space<vmem>>, vector<1x10000x128xf32>
    %get3A_8 = vector.shape_cast %get3A_7 : vector<1x10000x128xf32> to vector<10000x128xf32>
    %add3A = arith.addf %get3A_3, %get3A_8 : vector<10000x128xf32>
    %reduce_sum3A = arith.constant dense<0.000000e+00> : vector<128xf32>
    %reduce_sum3A_9 = vector.multi_reduction <add>, %add3A, %reduce_sum3A [0] : vector<10000x128xf32> to vector<128xf32>
    %broadcast_in_dim3A = vector.shape_cast %reduce_sum3A_9 : vector<128xf32> to vector<1x128xf32>
    %div3A = arith.constant 1.000000e+04 : f32
    %div3A_10 = vector.broadcast %div3A : f32 to vector<1x128xf32>
    %div3A_11 = arith.divf %broadcast_in_dim3A, %div3A_10 : vector<1x128xf32>
    %sub3A = vector.broadcast %div3A_11 : vector<1x128xf32> to vector<10000x128xf32>
    %sub3A_12 = arith.subf %add3A, %sub3A : vector<10000x128xf32>
    %mul3A = arith.mulf %sub3A_12, %sub3A_12 : vector<10000x128xf32>
    %reduce_sum3A_13 = arith.constant dense<0.000000e+00> : vector<128xf32>
    %reduce_sum3A_14 = vector.multi_reduction <add>, %mul3A, %reduce_sum3A_13 [0] : vector<10000x128xf32> to vector<128xf32>
    %broadcast_in_dim3A_15 = vector.shape_cast %reduce_sum3A_14 : vector<128xf32> to vector<1x128xf32>
    %div3A_16 = arith.constant 1.000000e+04 : f32
    %div3A_17 = vector.broadcast %div3A_16 : f32 to vector<1x128xf32>
    %div3A_18 = arith.divf %broadcast_in_dim3A_15, %div3A_17 : vector<1x128xf32>
    %add3A_19 = arith.constant 9.99999974E-6 : f32
    %add3A_20 = vector.broadcast %add3A_19 : f32 to vector<1x128xf32>
    %add3A_21 = arith.addf %div3A_18, %add3A_20 : vector<1x128xf32>
    %sqrt3A = math.sqrt %add3A_21 : vector<1x128xf32>
    %div3A_22 = vector.broadcast %sqrt3A : vector<1x128xf32> to vector<10000x128xf32>
    %div3A_23 = arith.divf %sub3A_12, %div3A_22 : vector<10000x128xf32>
    %get3A_24 = arith.constant 0 : index
    %get3A_25 = arith.constant 0 : index
    %get3A_26 = vector.load %arg1[%get3A_24, %get3A_25] : memref<1x128xf32, #tpu.memory_space<vmem>>, vector<1x128xf32>
    %mul3A_27 = vector.broadcast %get3A_26 : vector<1x128xf32> to vector<10000x128xf32>
    %mul3A_28 = arith.mulf %div3A_23, %mul3A_27 : vector<10000x128xf32>
    %get3A_29 = arith.constant 0 : index
    %get3A_30 = arith.constant 0 : index
    %get3A_31 = vector.load %arg2[%get3A_29, %get3A_30] : memref<1x128xf32, #tpu.memory_space<vmem>>, vector<1x128xf32>
    %add3A_32 = vector.broadcast %get3A_31 : vector<1x128xf32> to vector<10000x128xf32>
    %add3A_33 = arith.addf %mul3A_28, %add3A_32 : vector<10000x128xf32>
    %swap3A = arith.constant 0 : index
    %swap3A_34 = arith.constant 0 : index
    %swap3A_35 = vector.load %arg3[%swap3A, %swap3A_34] : memref<10000x128xf32, #tpu.memory_space<vmem>>, vector<10000x128xf32>
    tpu.vector_store %arg3[%swap3A, %swap3A_34], %add3A_33 {strides = array<i32>} : memref<10000x128xf32, #tpu.memory_space<vmem>>, vector<10000x128xf32>,
    return
  }
}

</mosaic_0001>

<sc_bundles>
// kernel: kernel.5.cloned.1.call-start
scs
__scs_entry_jumppad:
0x0: {  	(pc) =	sbr.rel $0x88, $3  }
0x1: {  	(tag) =	ssettag $0x0;
	lr =	simm.s32 $0x1  }
0x2: {  	[smem:$0x3F9B] =	sst lr;
	_ =	strace $0xD0000000  }
0x3: {  	_ = 	snop  }
0x4: {  	_ = 	snop  }
0x5: {  	_ = 	snop  }
0x6: {  	_ = 	snop  }
0x7: {  	_ = 	snop  }
__scs_overlays_trampoline_lowered:
0x8: {  	[smem:$0x3FAA] =	sst s0  }
0x9: {  	[smem:$0x3FAB] =	sst s1  }
0xa: {  	[smem:$0x3FAC] =	sst s2  }
0xb: {  	[smem:$0x3FAD] =	sst s3  }
0xc: {  	[smem:$0x3FAE] =	sst s4  }
0xd: {  	[smem:$0x3FAF] =	sst s5  }
0xe: {  	[smem:$0x3FB0] =	sst s6  }
0xf: {  	[smem:$0x3FB1] =	sst s7  }
0x10: {  	[smem:$0x3FB2] =	sst s8  }
0x11: {  	[smem:$0x3FB3] =	sst s9;
	s0 =	simm.s32 @!p0 $0x0  }
0x12: {  	s1 =	sld [smem:$0x3F99];
	s0 =	simm.s32 @p0 $0x1  }
0x13: {  	[smem:$0x3FB4] =	sst s0;
	s0 =	simm.s32 @!p1 $0x0  }
0x14: {  	s2 =	sld [smem:$0x3F98];
	s0 =	simm.s32 @p1 $0x1  }
0x15: {  	[smem:$0x3FB5] =	sst s0;
	s0 =	simm.s32 @!p2 $0x0  }
0x16: {  	s3 =	sld [smem:$0x3FDB];
	s0 =	simm.s32 @p2 $0x1  }
0x17: {  	s4 =	simm.s32 $0x1BF5;
	[smem:$0x3FB7] =	sst s0  }
0x18: {  	s0 =	sld [smem:$0x3F9A];
	_ =	swait.ge [sflag:s4], $0x0  }
0x19: {  	s7 =	sld [smem:$0x3F9B]  }
0x1a: {  	s8 =	sadd.s32 $0xFFFFE003, lr  }
0x1b: {  	s9 =	sadd.s32 $0xFFFFFEF7, lr;
	s5 =	simm.s32 $0xFFFFFFFF;
	p2 =	slt.u32 s8, $0xFFFFF086  }
0x1c: {  	p1 =	slt.u32 s9, $0xF7A;
	s5 =	simm.s32 @!p2 $0x0  }
0x1d: {  	s5 =	simm.s32 @p1 $0x1;
	p0 =	seq.s32 s7, s2  }
0x1e: {  	s7 =	smul.u32 @!p0 $0xF7A, s2;
	p2 =	seq.s32 @!p0 s5, $0x0  }
0x1f: {  	s9 =	smul.u32 $0xF7A, s1;
	s8 =	simm.s32 @!p0 $0x1BF5;
	p2 =	por !p2, p0  }
0x20: {  	[sflag:s8] =	ssyncset.s32 @!p0 $0xFFFFF086;
	s6 =	sadd.s32 @!p0 s3, s7;
	s7 =	simm.s32 @!p0 $0x108  }
0x21: {  	s3 =	sadd.s32 s3, s9;
	s6 =	sadd.s32 @!p0 $0x88, s6;
	s7 =	simm.s32 @p2 $0x1082  }
0x22: {  	[simem:s7], [sflag:s8] =	dma.local @!p0 [hbm:s6], $0xF7A  }
0x23: {  	s9 =	sor.u32 $0xD0000000, s2;
	s6 =	simm.s32 $0x108;
	_ =	swait.ge @!p0 [sflag:s8], $0x0  }
0x24: {  	s3 =	sadd.s32 $0x88, s3;
	s6 =	simm.s32 @!p1 $0x1082;
	[sflag:s4] =	ssyncset.s32 $0xFFFFF086  }
0x25: {  	[simem:s6], [sflag:s4] =	dma.local [hbm:s3], $0xF7A  }
0x26: {  	[smem:$0x3F9B] =	sst s1;
	(tag) =	ssettag s2;
	_ =	strace s9  }
0x27: {  	s1 =	sld [smem:$0x3FAB]  }
0x28: {  	s2 =	sld [smem:$0x3FAC]  }
0x29: {  	s4 =	sld [smem:$0x3FAE]  }
0x2a: {  	p0 =	seq.s32 s5, $0x0;
	s5 =	sld [smem:$0x3FAF]  }
0x2b: {  	s6 =	sld [smem:$0x3FB0]  }
0x2c: {  	s7 =	sld [smem:$0x3FB1]  }
0x2d: {  	s3 =	simm.s32 $0x108;
	s8 =	sld [smem:$0x3FB2]  }
0x2e: {  	s3 =	simm.s32 @!p0 $0x1082;
	s9 =	sld [smem:$0x3FB3]  }
0x2f: {  	lr =	sadd.s32 s0, s3;
	s0 =	sld [smem:$0x3FAA]  }
0x30: {  	s3 =	sld [smem:$0x3FAD]  }
0x31: {  	[smem:$0x3FB6] =	sst s10  }
0x32: {  	s10 =	sld [smem:$0x3FB4];
	_ =	sdelay $0x3  }
0x33: {  	p0 =	seq.s32 s10, $0x1;
	s10 =	sld [smem:$0x3FB6];
	_ =	sdelay $0x3  }
0x34: {  	[smem:$0x3FB6] =	sst s10  }
0x35: {  	s10 =	sld [smem:$0x3FB5];
	_ =	sdelay $0x3  }
0x36: {  	p1 =	seq.s32 s10, $0x1;
	s10 =	sld [smem:$0x3FB6];
	_ =	sdelay $0x3  }
0x37: {  	[smem:$0x3FB6] =	sst s10  }
0x38: {  	s10 =	sld [smem:$0x3FB7]  }
0x39: {  	_ = 	snop;
	(pc) =	sbr.ind lr, $3  }
0x3a: {  	_ = 	snop  }
0x3b: {  	_ = 	snop  }
0x3c: {  	p2 =	seq.s32 s10, $0x1;
	s10 =	sld [smem:$0x3FB6]  }
0x3d: {  	_ =	shalt  }
0x3e: {  	_ =	shalt  }
0x3f: {  	_ =	shalt  }
0x40: {  	_ =	shalt  }
0x41: {  	_ =	shalt  }
0x42: {  	_ =	shalt  }
0x43: {  	_ =	shalt  }
0x44: {  	_ =	shalt  }
0x45: {  	_ =	shalt  }
0x46: {  	_ =	shalt  }
0x47: {  	_ =	shalt  }
0x48: {  	_ =	shalt  }
0x49: {  	_ =	shalt  }
0x4a: {  	_ =	shalt  }
0x4b: {  	_ =	shalt  }
0x4c: {  	_ =	shalt  }
0x4d: {  	_ =	shalt  }
0x4e: {  	_ =	shalt  }
0x4f: {  	_ =	shalt  }
0x50: {  	_ =	shalt  }
0x51: {  	_ =	shalt  }
0x52: {  	_ =	shalt  }
0x53: {  	_ =	shalt  }
0x54: {  	_ =	shalt  }
0x55: {  	_ =	shalt  }
0x56: {  	_ =	shalt  }
0x57: {  	_ =	shalt  }
0x58: {  	_ =	shalt  }
0x59: {  	_ =	shalt  }
0x5a: {  	_ =	shalt  }
0x5b: {  	_ =	shalt  }
0x5c: {  	_ =	shalt  }
0x5d: {  	_ =	shalt  }
0x5e: {  	_ =	shalt  }
0x5f: {  	_ =	shalt  }
0x60: {  	_ =	shalt  }
0x61: {  	_ =	shalt  }
0x62: {  	_ =	shalt  }
0x63: {  	_ =	shalt  }
0x64: {  	_ =	shalt  }
0x65: {  	_ =	shalt  }
0x66: {  	_ =	shalt  }
0x67: {  	_ =	shalt  }
0x68: {  	_ =	shalt  }
0x69: {  	_ =	shalt  }
0x6a: {  	_ =	shalt  }
0x6b: {  	_ =	shalt  }
0x6c: {  	_ =	shalt  }
0x6d: {  	_ =	shalt  }
0x6e: {  	_ =	shalt  }
0x6f: {  	_ =	shalt  }
0x70: {  	_ =	shalt  }
0x71: {  	_ =	shalt  }
0x72: {  	_ =	shalt  }
0x73: {  	_ =	shalt  }
0x74: {  	_ =	shalt  }
0x75: {  	_ =	shalt  }
0x76: {  	_ =	shalt  }
0x77: {  	_ =	shalt  }
0x78: {  	_ =	shalt  }
0x79: {  	_ =	shalt  }
0x7a: {  	_ =	shalt  }
0x7b: {  	_ =	shalt  }
0x7c: {  	_ =	shalt  }
0x7d: {  	_ =	shalt  }
0x7e: {  	_ =	shalt  }
0x7f: {  	_ =	shalt  }
0x80: {  	_ =	shalt  }
0x81: {  	_ =	shalt  }
0x82: {  	_ =	shalt  }
0x83: {  	_ =	shalt  }
0x84: {  	_ =	shalt  }
0x85: {  	_ =	shalt  }
0x86: {  	_ =	shalt  }
0x87: {  	_ =	shalt  }
.Lfunc_end0:
.L_simem_size_0:
called_computation_lowered:
.L_overlay_start_0:
0x88: {  	s2 =	sld [smem:$0x3FD9]  }
0x89: {  	s3 =	sld [smem:$0x3FFE];
	_ =	sdelay $0x1  }
0x8a: {  	s1 =	srdreg.scid  }
0x8b: {  	s0 =	sand.u32 $0x1, s1  }
0x8c: {  	s17 =	sshll.u32 s0, $0xA;
	s2 =	sadd.s32 s3, s2  }
0x8d: {  	s2 =	sadd.s32 s2, s17  }
0x8e: {  	[smem:$0x3FC2] =	sst s2  }
0x8f: {  	_ = 	snop  }
0x90: {  	s2 =	sld [smem:$0x3FD0];
	(tm) =	ssettm $0x1  }
0x91: {  	s18 =	sld [smem:$0x3FFB];
	_ =	sdelay $0x3  }
0x92: {  	_ =	strace s18  }
0x93: {  	s3 =	sld [smem:$0x3FFC];
	_ =	sdelay $0x3  }
0x94: {  	_ =	strace s3  }
0x95: {  	s3 =	sld [smem:$0x3FFD];
	_ =	sdelay $0x3  }
0x96: {  	_ =	strace s3  }
0x97: {  	_ =	strace $0x8FFFFFFF  }
0x98: {  	s19 =	sld [smem:$0x3FDB];
	_ =	sdelay $0x1  }
0x99: {  	s4 =	simm.s32 $_scs_section_size  }
0x9a: {  	s5 =	simm.s32 $_size__tile_overlayer_lowered;
	s6 =	simm.s32 $_tile_overlayer_lowered  }
0x9b: {  	s22 =	simm.s32 $0x1BFF;
	s21 =	sshll.u32 s6, $0x1;
	s3 =	sadd.s32 s4, s19  }
0x9c: {  	s7 =	simm.s32 $0x0;
	s20 =	sshll.u32 s5, $0x1;
	s5 =	sadd.s32 s21, s3  }
0x9d: {  	[timem:s7], [sflag:s22] =	dma.local [hbm:s5], s20  }
0x9e: {  	_ =	swait.ge [sflag:s22], s20  }
0x9f: {  	s4 =	ssub.s32 $0x0, s20;
	[sflag:s22] =	ssyncset.done $0x0  }
0xa0: {  	[sflag:s22] =	ssyncadd.s32 s4;
	_ =	sdelay $0x1  }
0xa1: {  	s23 =	simm.s32 $0x1B8B  }
0xa2: {  	_ =	swait.ge [sflag:s23], $0x1  }
0xa3: {  	[sflag:s23] =	ssyncset.done $0x0  }
0xa4: {  	s25 =	simm.s32 $0x1B8E;
	s24 =	sld [smem:$0x3FFE];
	[sflag:s23] =	ssyncadd.s32 $0xFFFFFFFF  }
0xa5: {  	s26 =	simm.s32 $execute0_lowered;
	[smem:$0x3FD2] =	sst s25  }
0xa6: {  	s5 =	sshll.u32 s26, $0x1;
	_ =	strace $0x80000046;
	[dreg:$0x1] =	wrdreg $0xFFFFFFFF  }
0xa7: {  	s28 =	simm.s32 $_size_execute0_lowered;
	s3 =	sadd.s32 s3, s5;
	[dreg:$0x0] =	wrdreg $0x0  }
0xa8: {  	s5 =	sshll.u32 s28, $0x1;
	[dreg:$0x2] =	wrdreg s3  }
0xa9: {  	[dreg:$0x3] =	wrdreg s5  }
0xaa: {  	[dreg:$0x4] =	wrdreg $0xC0  }
0xab: {  	_ =	task [dreg:s7], $0x5FFFF  }
0xac: {  	[dreg:$0x1] =	wrdreg $0xFFFFFFFF  }
0xad: {  	[dreg:$0x0] =	wrdreg $0x60  }
0xae: {  	[dreg:$0x2] =	wrdreg s24  }
0xaf: {  	[dreg:$0x3] =	wrdreg s2  }
0xb0: {  	[dreg:$0x4] =	wrdreg $0xA8000  }
0xb1: {  	[dreg:$0x5] =	wrdreg $0x9  }
0xb2: {  	_ =	task.clear_ibuf [dreg:s7], $0x6FFFF;
	_ =	strace $0x90000046  }
0xb3: {  	s29 =	simm.s32 $0x9;
	_ =	strace $0x80000048  }
0xb4: {  	_ =	swait.ge [sflag:s29], $0x1  }
0xb5: {  	[sflag:s29] =	ssyncadd.s32 $0xFFFFFFFF  }
0xb6: {  	_ =	strace $0x90000048  }
0xb7: {  	_ =	sfence  }
0xb8: {  	s30 =	sld [smem:$0x0];
	_ =	sdelay $0x2  }
0xb9: {  	s31 =	sshll.u32 s1, $0xD;
	s1 =	sshrl.u32 s1, $0x2  }
0xba: {  	s3 =	sand.u32 $0x4000, s31;
	s1 =	sadd.s32 s1, s30  }
0xbb: {  	s0 =	sor.u32 s3, s0;
	s1 =	sshll.u32 s1, $0x11  }
0xbc: {  	s0 =	sor.u32 s1, s0  }
0xbd: {  	s0 =	sadd.s32 $0x8F2B, s0  }
0xbe: {  	[sflag:s0] =	ssyncadd.remote.s32 $0x1  }
0xbf: {  	_ =	sfence.sel $0xFFFF  }
0xc0: {  	[dreg:$0x0] =	wrdreg $0xFFFFFFFF;
	(pc) =	sbr.abs _section_cstart, $3  }
0xc1: {  	[dreg:$0x1] =	wrdreg $0xFFFFFFFF  }
0xc2: {  	_ =	task.clear_ibuf [dreg:s7], $0x2FFFF;
	_ =	strace $0x9FFFFFFF  }
0xc3: {  	(tm) =	ssettm $0x7FFFFFFF  }
tec
execute0_lowered:
.L_overlay_start_1:
0x0: {  	(tag) =	ssettag $0x1  }
0x1: {  	s6 =	rddreg [dreg:$0x0]  }
0x2: {  	s12 =	rddreg [dreg:$0x1]  }
0x3: {  	s1 =	rddreg [dreg:$0x2]  }
0x4: {  	s2 =	srdreg.scid;
	s0 =	rddreg [dreg:$0x3];
	s3 =	simm.s32 $0x0  }
0x5: {  	s17 =	simm.s32 $0x3;
	s18 =	simm.s32 $0x1400;
	s19 =	simm.s32 $0x80  }
0x6: {  	s20 =	simm.s32 $0x6800;
	s21 =	simm.s32 $0x1;
	s22 =	simm.s32 $0x2  }
0x7: {  	s23 =	simm.s32 $0x1380;
	s24 =	simm.s32 $0x2700;
	s5 =	sand.u32 $0x1, s2  }
0x8: {  	s25 =	simm.s32 $0x2780;
	s2 =	stileid.u32;
	s7 =	smul.u32 $0x140000, s5  }
0x9: {  	[smem:$0x7FF] =	sst s3;
	s4 =	sadd.s32 $0x1800, s6;
	s8 =	smul.u32 $0x14000, s2  }
0xa: {  	s13 =	sadd.s32 $0x420400, s6;
	s29 =	smul.u32 $0x50000, s2;
	s9 =	sshll.u32 s2, $0x1  }
0xb: {  	_ =	strace $0x80000047;
	s10 =	ssub.s32 $0x2, s5;
	s9 =	sor.u32 s5, s9  }
0xc: {  	s31 =	sshrl.u32 s10, $0x1;
	s7 =	sadd.s32 s8, s7;
	s30 =	sshrl.u32 s29, $0x2  }
0xd: {  	s9 =	smul.u32 $0x2800, s9;
	s15 =	ssub.s32 s10, s31;
	s7 =	sshrl.u32 s7, $0x3  }
0xe: {  	s5 =	sadd.s32 s30, s1;
	s15 =	smax.u32 s15, $0x1;
	s14 =	sadd.s32 s7, s6  }
0xf: {  	s6 =	sadd.s32 $0x4000, s5;
	s7 =	sadd.s32 $0x8000, s5;
	s11 =	sshrl.u32 s9, $0x3  }
0x10: {  	s8 =	sadd.s32 $0xC000, s5;
	s9 =	sadd.s32 $0x10000, s5;
	s10 =	sadd.s32 s12, s11  }
0x11: {  	s16 =	sadd.s32 $0x280, s11;
	s11 =	sadd.s32 s13, s11;
	s14 =	sadd.s32 $0x42A400, s14  }
0x12: {  	v0 =	vimm.f32 $0.0e+00;
	s12 =	sadd.s32 s12, s16;
	s13 =	sadd.s32 s13, s16;
	s16 =	simm.s32 $0x2800  }
.LBB2_1:
0x13: {  	s26 =	simm.s32 $0x0;
	s28 =	simm.s32 $0x200  }
.LBB2_2:
0x14: {  	p0 =	sne.s32 s28, $0xFE00;
	[tilespmem:s26+$0x2870] =	vst v0  }
0x15: {  	[tilespmem:s26+$0x2800] =	vst v0  }
0x16: {  	[tilespmem:s26+$0x2810] =	vst v0  }
.Ltmp0:
0x17: {  	[tilespmem:s26+$0x2820] =	vst v0;
	(pc) =	sbr.rel @p0 .LBB2_2-.Ltmp0, $4  }
0x18: {  	[tilespmem:s26+$0x2830] =	vst v0  }
0x19: {  	[tilespmem:s26+$0x2840] =	vst v0  }
0x1a: {  	[tilespmem:s26+$0x2850] =	vst v0  }
0x1b: {  	[tilespmem:s26+$0x2860] =	vst v0;
	s26 =	sshra.s32 s28, $0x2;
	s28 =	sadd.s32 $0x200, s28  }
0x1c: {  	[tilespmem:s26+$0x2870] =	vst v0  }
0x1d: {  	[tilespmem:s26+$0x2800] =	vst v0  }
0x1e: {  	[tilespmem:s26+$0x2810] =	vst v0  }
0x1f: {  	[tilespmem:s26+$0x2820] =	vst v0  }
0x20: {  	[tilespmem:s26+$0x2830] =	vst v0  }
0x21: {  	[tilespmem:s26+$0x2840] =	vst v0  }
0x22: {  	[tilespmem:s26+$0x2850] =	vst v0  }
0x23: {  	[tilespmem:s26+$0x2860] =	vst v0  }
0x24: {  	[spmem:s5] =	stream.linear.scatter [tilespmem:s16], [sflag:$0x3], $0x4000, $0x38;
	[tilespmem:$0x1E800] =	vst v63  }
0x25: {  	_ =	swait.ge [sflag:s17], $0x4000  }
0x26: {  	[sflag:s17] =	ssyncset.done $0x0  }
0x27: {  	[sflag:s17] =	ssyncadd.s32 $0xFFFFC000  }
0x28: {  	[spmem:s6] =	stream.linear.scatter [tilespmem:s16], [sflag:$0x3], $0x4000, $0x38;
	[tilespmem:$0x1E800] =	vst v63  }
0x29: {  	_ =	swait.ge [sflag:s17], $0x4000  }
0x2a: {  	[sflag:s17] =	ssyncset.done $0x0  }
0x2b: {  	[sflag:s17] =	ssyncadd.s32 $0xFFFFC000  }
0x2c: {  	[spmem:s7] =	stream.linear.scatter [tilespmem:s16], [sflag:$0x3], $0x4000, $0x38;
	[tilespmem:$0x1E800] =	vst v63  }
0x2d: {  	_ =	swait.ge [sflag:s17], $0x4000  }
0x2e: {  	[sflag:s17] =	ssyncset.done $0x0  }
0x2f: {  	[sflag:s17] =	ssyncadd.s32 $0xFFFFC000  }
0x30: {  	[spmem:s8] =	stream.linear.scatter [tilespmem:s16], [sflag:$0x3], $0x4000, $0x38;
	[tilespmem:$0x1E800] =	vst v63  }
0x31: {  	_ =	swait.ge [sflag:s17], $0x4000  }
0x32: {  	[sflag:s17] =	ssyncset.done $0x0  }
0x33: {  	[sflag:s17] =	ssyncadd.s32 $0xFFFFC000  }
0x34: {  	[spmem:s9] =	stream.linear.scatter [tilespmem:s16], [sflag:$0x3], $0x4000, $0x38;
	[tilespmem:$0x1E800] =	vst v63  }
0x35: {  	_ =	swait.ge [sflag:s17], $0x4000  }
0x36: {  	[sflag:s17] =	ssyncset.done $0x0  }
0x37: {  	[sflag:s17] =	ssyncadd.s32 $0xFFFFC000  }
0x38: {  	s30 =	simm.s32 $0x0;
	[bflag:$0x0] =	sbarrier.arrive $0xFFFF  }
0x39: {  	[tilespmem:s30], [sflag:$0x3] =	stream.linear.gather [hbm4b:s10+s30], $0x1400, $0x38;
	[tilespmem:$0x1E800] =	vst v63  }
0x3a: {  	_ =	swait.ge [sflag:s17], $0x1400  }
0x3b: {  	[sflag:s17] =	ssyncset.done $0x0  }
0x3c: {  	[sflag:s17] =	ssyncadd.s32 $0xFFFFEC00  }
0x3d: {  	[tilespmem:s18], [sflag:$0x3] =	stream.linear.gather [hbm4b:s11+s30], $0x1400, $0x38;
	[tilespmem:$0x1E800] =	vst v63  }
0x3e: {  	_ =	swait.ge [sflag:s17], $0x1400  }
0x3f: {  	[sflag:s17] =	ssyncset.done $0x0  }
0x40: {  	[sflag:s17] =	ssyncadd.s32 $0xFFFFEC00  }
0x41: {  	[tilespmem:s16], [sflag:$0x1] =	stream.indirect.gather [hbm4b:s4+s19], $0x80, s30, s19, $0xb8;
	[tilespmem:$0x1E800] =	vst v63  }
0x42: {  	s31 =	simm.s32 $0x80  }
0x43: {  	[tilespmem:s20], [sflag:$0x2] =	stream.indirect.gather [hbm4b:s4+s19], $0x80, s31, s19, $0xb8;
	[tilespmem:$0x1E800] =	vst v63  }
0x44: {  	_ =	swait.ge [sflag:s21], $0x4000  }
0x45: {  	[sflag:s21] =	ssyncset.done $0x0  }
0x46: {  	s29 =	simm.s32 $0x1400;
	[sflag:s21] =	ssyncadd.s32 $0xFFFFC000  }
0x47: {  	[spmem:s1] =	stream.indirect.scatter.add.f32 [tilespmem:s16], [sflag:$0x3], $0x80, s29, s19, $0xb8;
	[tilespmem:$0x1E800] =	vst v63  }
0x48: {  	_ =	swait.ge [sflag:s17], $0x4000  }
0x49: {  	[sflag:s17] =	ssyncset.done $0x0  }
0x4a: {  	s30 =	simm.s32 $0x100;
	[sflag:s17] =	ssyncadd.s32 $0xFFFFC000  }
0x4b: {  	[tilespmem:s16], [sflag:$0x1] =	stream.indirect.gather [hbm4b:s4+s19], $0x80, s30, s19, $0xb8;
	[tilespmem:$0x1E800] =	vst v63  }
0x4c: {  	_ =	swait.ge [sflag:s22], $0x4000  }
0x4d: {  	[sflag:s22] =	ssyncset.done $0x0  }
0x4e: {  	s31 =	simm.s32 $0x1480;
	[sflag:s22] =	ssyncadd.s32 $0xFFFFC000  }
0x4f: {  	[spmem:s1] =	stream.indirect.scatter.add.f32 [tilespmem:s20], [sflag:$0x3], $0x80, s31, s19, $0xb8;
	[tilespmem:$0x1E800] =	vst v63  }
0x50: {  	_ =	swait.ge [sflag:s17], $0x4000  }
0x51: {  	s28 =	simm.s32 $0x800;
	s26 =	simm.s32 $0x100;
	[sflag:s17] =	ssyncset.done $0x0  }
.LBB2_4:
0x52: {  	s29 =	sadd.s32 $0x80, s26  }
0x53: {  	[sflag:s17] =	ssyncadd.s32 $0xFFFFC000;
	s30 =	smov.u32 s28;
	s31 =	sadd.s32 $0x400, s28  }
0x54: {  	[tilespmem:s20], [sflag:$0x2] =	stream.indirect.gather [hbm4b:s4+s19], $0x80, s29, s19, $0xb8;
	[tilespmem:$0x1E800] =	vst v63  }
0x55: {  	p0 =	sne.s32 s28, $0x4800;
	_ =	swait.ge [sflag:s21], $0x4000  }
0x56: {  	[sflag:s21] =	ssyncset.done $0x0  }
0x57: {  	s28 =	sadd.s32 $0x1400, s26;
	[sflag:s21] =	ssyncadd.s32 $0xFFFFC000  }
0x58: {  	[spmem:s1] =	stream.indirect.scatter.add.f32 [tilespmem:s16], [sflag:$0x3], $0x80, s28, s19, $0xb8;
	[tilespmem:$0x1E800] =	vst v63  }
0x59: {  	_ =	swait.ge [sflag:s17], $0x4000  }
0x5a: {  	[sflag:s17] =	ssyncset.done $0x0  }
0x5b: {  	s28 =	sadd.s32 $0x100, s26;
	[sflag:s17] =	ssyncadd.s32 $0xFFFFC000  }
0x5c: {  	[tilespmem:s16], [sflag:$0x1] =	stream.indirect.gather [hbm4b:s4+s19], $0x80, s28, s19, $0xb8;
	[tilespmem:$0x1E800] =	vst v63  }
0x5d: {  	_ =	swait.ge [sflag:s22], $0x4000  }
.Ltmp1:
0x5e: {  	[sflag:s22] =	ssyncset.done $0x0;
	(pc) =	sbr.rel @p0 .LBB2_4-.Ltmp1, $4  }
0x5f: {  	s26 =	sadd.s32 $0x1480, s26;
	[sflag:s22] =	ssyncadd.s32 $0xFFFFC000  }
0x60: {  	[spmem:s1] =	stream.indirect.scatter.add.f32 [tilespmem:s20], [sflag:$0x3], $0x80, s26, s19, $0xb8;
	[tilespmem:$0x1E800] =	vst v63  }
0x61: {  	_ =	swait.ge [sflag:s17], $0x4000  }
0x62: {  	s28 =	smov.u32 s31;
	s26 =	sshra.s32 s30, $0x2;
	[sflag:s17] =	ssyncset.done $0x0  }
0x63: {  	s28 =	sadd.s32 $0x80, s26;
	[sflag:s17] =	ssyncadd.s32 $0xFFFFC000  }
0x64: {  	[tilespmem:s20], [sflag:$0x2] =	stream.indirect.gather [hbm4b:s4+s19], $0x80, s28, s19, $0xb8;
	[tilespmem:$0x1E800] =	vst v63  }
0x65: {  	_ =	swait.ge [sflag:s21], $0x4000  }
0x66: {  	[sflag:s21] =	ssyncset.done $0x0  }
0x67: {  	s28 =	sadd.s32 $0x1400, s26;
	[sflag:s21] =	ssyncadd.s32 $0xFFFFC000  }
0x68: {  	[spmem:s1] =	stream.indirect.scatter.add.f32 [tilespmem:s16], [sflag:$0x3], $0x80, s28, s19, $0xb8;
	[tilespmem:$0x1E800] =	vst v63  }
0x69: {  	_ =	swait.ge [sflag:s17], $0x4000  }
0x6a: {  	[sflag:s17] =	ssyncset.done $0x0  }
0x6b: {  	s28 =	sadd.s32 $0x100, s26;
	[sflag:s17] =	ssyncadd.s32 $0xFFFFC000  }
0x6c: {  	[tilespmem:s16], [sflag:$0x1] =	stream.indirect.gather [hbm4b:s4+s19], $0x80, s28, s19, $0xb8;
	[tilespmem:$0x1E800] =	vst v63  }
0x6d: {  	_ =	swait.ge [sflag:s22], $0x4000  }
0x6e: {  	[sflag:s22] =	ssyncset.done $0x0  }
0x6f: {  	s29 =	sadd.s32 $0x1480, s26;
	[sflag:s22] =	ssyncadd.s32 $0xFFFFC000  }
0x70: {  	[spmem:s1] =	stream.indirect.scatter.add.f32 [tilespmem:s20], [sflag:$0x3], $0x80, s29, s19, $0xb8;
	[tilespmem:$0x1E800] =	vst v63  }
0x71: {  	_ =	swait.ge [sflag:s17], $0x4000  }
0x72: {  	[sflag:s17] =	ssyncset.done $0x0  }
0x73: {  	[sflag:s17] =	ssyncadd.s32 $0xFFFFC000  }
0x74: {  	[tilespmem:s20], [sflag:$0x2] =	stream.indirect.gather [hbm4b:s4+s19], $0x80, s23, s19, $0xb8;
	[tilespmem:$0x1E800] =	vst v63  }
0x75: {  	_ =	swait.ge [sflag:s21], $0x4000  }
0x76: {  	[sflag:s21] =	ssyncset.done $0x0  }
0x77: {  	[sflag:s21] =	ssyncadd.s32 $0xFFFFC000  }
0x78: {  	[spmem:s1] =	stream.indirect.scatter.add.f32 [tilespmem:s16], [sflag:$0x3], $0x80, s24, s19, $0xb8;
	[tilespmem:$0x1E800] =	vst v63  }
0x79: {  	_ =	swait.ge [sflag:s17], $0x4000  }
0x7a: {  	[sflag:s17] =	ssyncset.done $0x0  }
0x7b: {  	[sflag:s17] =	ssyncadd.s32 $0xFFFFC000  }
0x7c: {  	_ =	swait.ge [sflag:s22], $0x4000  }
0x7d: {  	[sflag:s22] =	ssyncset.done $0x0  }
0x7e: {  	[sflag:s22] =	ssyncadd.s32 $0xFFFFC000  }
0x7f: {  	[spmem:s1] =	stream.indirect.scatter.add.f32 [tilespmem:s20], [sflag:$0x3], $0x80, s25, s19, $0xb8;
	[tilespmem:$0x1E800] =	vst v63  }
0x80: {  	_ =	swait.ge [sflag:s17], $0x4000  }
0x81: {  	[sflag:s17] =	ssyncset.done $0x0  }
0x82: {  	s30 =	simm.s32 $0x0;
	[sflag:s17] =	ssyncadd.s32 $0xFFFFC000  }
0x83: {  	[tilespmem:s30], [sflag:$0x3] =	stream.linear.gather [hbm4b:s12+s30], $0x1400, $0x38;
	[tilespmem:$0x1E800] =	vst v63  }
0x84: {  	_ =	swait.ge [sflag:s17], $0x1400  }
0x85: {  	[sflag:s17] =	ssyncset.done $0x0  }
0x86: {  	[sflag:s17] =	ssyncadd.s32 $0xFFFFEC00  }
0x87: {  	[tilespmem:s18], [sflag:$0x3] =	stream.linear.gather [hbm4b:s13+s30], $0x1400, $0x38;
	[tilespmem:$0x1E800] =	vst v63  }
0x88: {  	_ =	swait.ge [sflag:s17], $0x1400  }
0x89: {  	[sflag:s17] =	ssyncset.done $0x0  }
0x8a: {  	[sflag:s17] =	ssyncadd.s32 $0xFFFFEC00  }
0x8b: {  	[tilespmem:s16], [sflag:$0x1] =	stream.indirect.gather [hbm4b:s4+s19], $0x80, s30, s19, $0xb8;
	[tilespmem:$0x1E800] =	vst v63  }
0x8c: {  	s31 =	simm.s32 $0x80  }
0x8d: {  	[tilespmem:s20], [sflag:$0x2] =	stream.indirect.gather [hbm4b:s4+s19], $0x80, s31, s19, $0xb8;
	[tilespmem:$0x1E800] =	vst v63  }
0x8e: {  	_ =	swait.ge [sflag:s21], $0x4000  }
0x8f: {  	[sflag:s21] =	ssyncset.done $0x0  }
0x90: {  	s29 =	simm.s32 $0x1400;
	[sflag:s21] =	ssyncadd.s32 $0xFFFFC000  }
0x91: {  	[spmem:s1] =	stream.indirect.scatter.add.f32 [tilespmem:s16], [sflag:$0x3], $0x80, s29, s19, $0xb8;
	[tilespmem:$0x1E800] =	vst v63  }
0x92: {  	_ =	swait.ge [sflag:s17], $0x4000  }
0x93: {  	[sflag:s17] =	ssyncset.done $0x0  }
0x94: {  	s30 =	simm.s32 $0x100;
	[sflag:s17] =	ssyncadd.s32 $0xFFFFC000  }
0x95: {  	[tilespmem:s16], [sflag:$0x1] =	stream.indirect.gather [hbm4b:s4+s19], $0x80, s30, s19, $0xb8;
	[tilespmem:$0x1E800] =	vst v63  }
0x96: {  	_ =	swait.ge [sflag:s22], $0x4000  }
0x97: {  	[sflag:s22] =	ssyncset.done $0x0  }
0x98: {  	s31 =	simm.s32 $0x1480;
	[sflag:s22] =	ssyncadd.s32 $0xFFFFC000  }
0x99: {  	[spmem:s1] =	stream.indirect.scatter.add.f32 [tilespmem:s20], [sflag:$0x3], $0x80, s31, s19, $0xb8;
	[tilespmem:$0x1E800] =	vst v63  }
0x9a: {  	_ =	swait.ge [sflag:s17], $0x4000  }
0x9b: {  	s26 =	simm.s32 $0x100;
	s28 =	simm.s32 $0x800;
	[sflag:s17] =	ssyncset.done $0x0  }
.LBB2_6:
0x9c: {  	s29 =	sadd.s32 $0x80, s26  }
0x9d: {  	[sflag:s17] =	ssyncadd.s32 $0xFFFFC000;
	s30 =	smov.u32 s28;
	s31 =	sadd.s32 $0x400, s28  }
0x9e: {  	[tilespmem:s20], [sflag:$0x2] =	stream.indirect.gather [hbm4b:s4+s19], $0x80, s29, s19, $0xb8;
	[tilespmem:$0x1E800] =	vst v63  }
0x9f: {  	p0 =	sne.s32 s28, $0x4800;
	_ =	swait.ge [sflag:s21], $0x4000  }
0xa0: {  	[sflag:s21] =	ssyncset.done $0x0  }
0xa1: {  	s28 =	sadd.s32 $0x1400, s26;
	[sflag:s21] =	ssyncadd.s32 $0xFFFFC000  }
0xa2: {  	[spmem:s1] =	stream.indirect.scatter.add.f32 [tilespmem:s16], [sflag:$0x3], $0x80, s28, s19, $0xb8;
	[tilespmem:$0x1E800] =	vst v63  }
0xa3: {  	_ =	swait.ge [sflag:s17], $0x4000  }
0xa4: {  	[sflag:s17] =	ssyncset.done $0x0  }
0xa5: {  	s28 =	sadd.s32 $0x100, s26;
	[sflag:s17] =	ssyncadd.s32 $0xFFFFC000  }
0xa6: {  	[tilespmem:s16], [sflag:$0x1] =	stream.indirect.gather [hbm4b:s4+s19], $0x80, s28, s19, $0xb8;
	[tilespmem:$0x1E800] =	vst v63  }
0xa7: {  	_ =	swait.ge [sflag:s22], $0x4000  }
.Ltmp2:
0xa8: {  	[sflag:s22] =	ssyncset.done $0x0;
	(pc) =	sbr.rel @p0 .LBB2_6-.Ltmp2, $4  }
0xa9: {  	s26 =	sadd.s32 $0x1480, s26;
	[sflag:s22] =	ssyncadd.s32 $0xFFFFC000  }
0xaa: {  	[spmem:s1] =	stream.indirect.scatter.add.f32 [tilespmem:s20], [sflag:$0x3], $0x80, s26, s19, $0xb8;
	[tilespmem:$0x1E800] =	vst v63  }
0xab: {  	_ =	swait.ge [sflag:s17], $0x4000  }
0xac: {  	s28 =	smov.u32 s31;
	s26 =	sshra.s32 s30, $0x2;
	[sflag:s17] =	ssyncset.done $0x0  }
0xad: {  	s28 =	sadd.s32 $0x80, s26;
	[sflag:s17] =	ssyncadd.s32 $0xFFFFC000  }
0xae: {  	[tilespmem:s20], [sflag:$0x2] =	stream.indirect.gather [hbm4b:s4+s19], $0x80, s28, s19, $0xb8;
	[tilespmem:$0x1E800] =	vst v63  }
0xaf: {  	_ =	swait.ge [sflag:s21], $0x4000  }
0xb0: {  	[sflag:s21] =	ssyncset.done $0x0  }
0xb1: {  	s30 =	sadd.s32 $0x1400, s26;
	[sflag:s21] =	ssyncadd.s32 $0xFFFFC000  }
0xb2: {  	[spmem:s1] =	stream.indirect.scatter.add.f32 [tilespmem:s16], [sflag:$0x3], $0x80, s30, s19, $0xb8;
	[tilespmem:$0x1E800] =	vst v63  }
0xb3: {  	_ =	swait.ge [sflag:s17], $0x4000  }
0xb4: {  	[sflag:s17] =	ssyncset.done $0x0  }
0xb5: {  	s31 =	sadd.s32 $0x100, s26;
	[sflag:s17] =	ssyncadd.s32 $0xFFFFC000  }
0xb6: {  	[tilespmem:s16], [sflag:$0x1] =	stream.indirect.gather [hbm4b:s4+s19], $0x80, s31, s19, $0xb8;
	[tilespmem:$0x1E800] =	vst v63  }
0xb7: {  	_ =	swait.ge [sflag:s22], $0x4000  }
0xb8: {  	[sflag:s22] =	ssyncset.done $0x0  }
0xb9: {  	s29 =	sadd.s32 $0x1480, s26;
	[sflag:s22] =	ssyncadd.s32 $0xFFFFC000  }
0xba: {  	[spmem:s1] =	stream.indirect.scatter.add.f32 [tilespmem:s20], [sflag:$0x3], $0x80, s29, s19, $0xb8;
	[tilespmem:$0x1E800] =	vst v63  }
0xbb: {  	_ =	swait.ge [sflag:s17], $0x4000  }
0xbc: {  	[sflag:s17] =	ssyncset.done $0x0  }
0xbd: {  	[sflag:s17] =	ssyncadd.s32 $0xFFFFC000  }
0xbe: {  	[tilespmem:s20], [sflag:$0x2] =	stream.indirect.gather [hbm4b:s4+s19], $0x80, s23, s19, $0xb8;
	[tilespmem:$0x1E800] =	vst v63  }
0xbf: {  	_ =	swait.ge [sflag:s21], $0x4000  }
0xc0: {  	[sflag:s21] =	ssyncset.done $0x0  }
0xc1: {  	[sflag:s21] =	ssyncadd.s32 $0xFFFFC000  }
0xc2: {  	[spmem:s1] =	stream.indirect.scatter.add.f32 [tilespmem:s16], [sflag:$0x3], $0x80, s24, s19, $0xb8;
	[tilespmem:$0x1E800] =	vst v63  }
0xc3: {  	_ =	swait.ge [sflag:s17], $0x4000  }
0xc4: {  	[sflag:s17] =	ssyncset.done $0x0  }
0xc5: {  	[sflag:s17] =	ssyncadd.s32 $0xFFFFC000  }
0xc6: {  	_ =	swait.ge [sflag:s22], $0x4000  }
0xc7: {  	[sflag:s22] =	ssyncset.done $0x0  }
0xc8: {  	[sflag:s22] =	ssyncadd.s32 $0xFFFFC000  }
0xc9: {  	[spmem:s1] =	stream.indirect.scatter.add.f32 [tilespmem:s20], [sflag:$0x3], $0x80, s25, s19, $0xb8;
	[tilespmem:$0x1E800] =	vst v63  }
0xca: {  	_ =	swait.ge [sflag:s17], $0x4000  }
0xcb: {  	s3 =	sadd.s32 $0x1, s3;
	s30 =	sshll.u32 s2, $0x6;
	[sflag:s17] =	ssyncset.done $0x0  }
0xcc: {  	p0 =	sne.s32 s3, s15;
	s26 =	sor.u32 $0x1C03, s30;
	[sflag:s17] =	ssyncadd.s32 $0xFFFFC000  }
.Ltmp3:
0xcd: {  	s31 =	sshrl.u32 s5, $0x3;
	[bflag:$0x0] =	sbarrier.arrive $0xFFFF;
	(pc) =	sbr.rel @p0 .LBB2_1-.Ltmp3, $4  }
0xce: {  	[hbm:s14], [sflag:s26] =	dma.local [spmem:s31], $0x2800  }
0xcf: {  	_ =	swait.ge [sflag:s17], $0x2800  }
0xd0: {  	[sflag:s17] =	ssyncset.done $0x0  }
0xd1: {  	[sflag:s17] =	ssyncadd.s32 $0xFFFFD800  }
0xd2: {  	_ =	sfence.sel $0x180000  }
0xd3: {  	[bflag:$0x0] =	sbarrier.arrive $0xFFFF  }
0xd4: {  	p0 =	sne.s32 s2, $0x0;
	_ =	strace $0x90000047  }
0xd5: {  	s0 =	sadd.s32 @!p0 $0x100000, s0;
	[bflag:$0x2] =	sbarrier.arrive $0xFFFF  }
0xd6: {  	[sflag:s0] =	ssyncadd.tile.s32 @!p0 $0x1;
	_ =	shalt  }
.Lfunc_end2:
_tile_overlayer_lowered:
.L_overlay_start_2:
0xd7: {  	(tag) =	ssettag $0x2  }
0xd8: {  	s0 =	rddreg [dreg:$0x0];
	s2 =	stileid.u32  }
0xd9: {  	s1 =	rddreg [dreg:$0x1];
	p0 =	sne.s32 s2, $0x0  }
0xda: {  	s3 =	rddreg [dreg:$0x2];
	[bflag:$0x3] =	sbarrier.arrive $0xFFFF;
	s2 =	simm.s32 @!p0 $0x1C03  }
0xdb: {  	[timem:s3], [sflag:s2] =	dma.local @!p0 [hbm:s0], s1  }
0xdc: {  	s0 =	simm.s32 @!p0 $0x3  }
0xdd: {  	_ =	swait.ge @!p0 [sflag:s0], s1  }
0xde: {  	s1 =	ssub.s32 @!p0 $0x0, s1;
	[sflag:s0] =	ssyncset.done @!p0 $0x0  }
0xdf: {  	[sflag:s0] =	ssyncadd.s32 @!p0 s1  }
0xe0: {  	[bflag:$0x3] =	sbarrier.arrive $0xFFFF  }
0xe1: {  	_ =	shalt  }

</sc_bundles>
